<compile_context>
chip_gen: v7x
topology: tpu7x:2x2x1
jax: 0.10.2.dev20260603
libtpu: 0.0.44.dev20260713+nightly
codegen_flags: <defaults>
</compile_context>

<pallas_src>
import functools

import jax
import jax.numpy as jnp
from jax import lax
from jax.experimental import pallas as pl
from jax.experimental.pallas import tpu as pltpu
from jax.experimental.pallas import tpu_sc as plsc

N = 10000
E = 160000
H = 256
G = 64
NP = 10240
EP = 163840
EROWS = 1280
TILES = 32
RPT = EROWS // TILES
NSLICE = NP // 16



BLK = 2560
NBLK = 4


def _k1_body(x_ref, w2t_ref, out_ref):
    out_ref[...] = lax.dot_general(
        w2t_ref[...], x_ref[...],
        dimension_numbers=(((1,), (1,)), ((), ())),
        preferred_element_type=jnp.float32,
        precision=lax.Precision.DEFAULT,
    )


def _project(x, w2t):
    return pl.pallas_call(
        _k1_body,
        grid=(NBLK,),
        in_specs=[
            pl.BlockSpec((BLK, H), lambda i: (i, 0)),
            pl.BlockSpec((2, H), lambda i: (0, 0)),
        ],
        out_specs=pl.BlockSpec((2, BLK), lambda i: (0, i)),
        out_shape=jax.ShapeDtypeStruct((2, N), jnp.float32),
    )(x, w2t)



def _sc_body(y2t_hbm, src_hbm, dst_hbm, dummy_hbm, out_hbm,
             yrel_v, src_v, dst_v, vals_v, zero_v, agg_sh, sem_in, sem_sc):
    cid = lax.axis_index("c")
    sid = lax.axis_index("s")
    tid = cid * 16 + sid

    in1 = pltpu.async_copy(y2t_hbm.at[0], yrel_v, sem_in)
    in2 = pltpu.async_copy(src_hbm.at[pl.ds(tid * RPT, RPT)], src_v, sem_in)
    in3 = pltpu.async_copy(dst_hbm.at[pl.ds(tid * RPT, RPT)], dst_v, sem_in)

    zeros16 = jnp.zeros((16,), jnp.float32)
    for k in range(NSLICE // 16):
        zero_v[pl.ds(k * 16, 16)] = zeros16
    pltpu.sync_copy(zero_v, agg_sh.at[pl.ds(sid * NSLICE, NSLICE)])
    in1.wait()
    in2.wait()
    in3.wait()
    plsc.subcore_barrier()

    def edge_row(j, carry):
        for k in range(8):
            idx = src_v[j, pl.ds(k * 16, 16)]
            vals_v[j, pl.ds(k * 16, 16)] = plsc.load_gather(yrel_v, [idx])
        pltpu.async_copy(vals_v.at[j], agg_sh.at[dst_v.at[j]], sem_sc,
                         add=True)
        return carry

    lax.fori_loop(0, RPT, edge_row, 0)
    pltpu.make_async_copy(dummy_hbm, vals_v, sem_sc).wait()
    plsc.subcore_barrier()

    pltpu.sync_copy(agg_sh.at[pl.ds(sid * NSLICE, NSLICE)],
                    out_hbm.at[cid, pl.ds(sid * NSLICE, NSLICE)])


def _edge_agg(y2t, src_r, dst_r):
    mesh = plsc.VectorSubcoreMesh(core_axis_name="c", subcore_axis_name="s")
    k = functools.partial(
        pl.kernel,
        out_type=jax.ShapeDtypeStruct((2, NP), jnp.float32),
        mesh=mesh,
        compiler_params=pltpu.CompilerParams(needs_layout_passes=False),
        scratch_types=[
            pltpu.VMEM((N,), jnp.float32),
            pltpu.VMEM((RPT, 128), jnp.int32),
            pltpu.VMEM((RPT, 128), jnp.int32),
            pltpu.VMEM((RPT, 128), jnp.float32),
            pltpu.VMEM((NSLICE,), jnp.float32),
            pltpu.VMEM_SHARED((NP,), jnp.float32),
            pltpu.SemaphoreType.DMA,
            pltpu.SemaphoreType.DMA,
        ],
    )(_sc_body)
    return k(y2t, src_r, dst_r, jnp.zeros((RPT, 128), jnp.float32))



def _k3_body(x_ref, y2tf_ref, aggf_ref, batchf_ref, y2t_ref, agg_ref,
             batch_ref, brel_ref, out_ref, m_ref, l_ref, acc_ref):
    i = pl.program_id(0)
    neg_inf = jnp.float32(-jnp.inf)

    @pl.when(i == 0)
    def _():
        xconv = (aggf_ref[0:1, :N] + aggf_ref[1:2, :N] + y2tf_ref[1:2, :]
                 + brel_ref[0, 0])
        gids = lax.broadcasted_iota(jnp.int32, (G, N), 0)
        mask = gids == batchf_ref[...]
        m = jnp.max(jnp.where(mask, xconv, neg_inf), axis=1, keepdims=True)
        ex = jnp.exp(jnp.where(mask, xconv - m, neg_inf))
        m_ref[...] = m
        l_ref[...] = jnp.sum(ex, axis=1, keepdims=True)

    @pl.when(i > 0)
    def _():
        b = i - 1
        xconv = (agg_ref[0:1, :] + agg_ref[1:2, :] + y2t_ref[1:2, :]
                 + brel_ref[0, 0])
        gids = lax.broadcasted_iota(jnp.int32, (G, BLK), 0)
        node = b * BLK + lax.broadcasted_iota(jnp.int32, (G, BLK), 1)
        mask = (gids == batch_ref[...]) & (node < N)

        ex = jnp.exp(jnp.where(mask, xconv - m_ref[...], neg_inf))
        p = ex / (l_ref[...] + jnp.float32(1e-16))
        node_col = b * BLK + lax.broadcasted_iota(jnp.int32, (BLK, 1), 0)
        xb = jnp.where(node_col < N, x_ref[...], jnp.float32(0))
        part = jnp.dot(p, xb, preferred_element_type=jnp.float32,
                       precision=lax.Precision.DEFAULT)
        acc_ref[...] = jnp.where(b == 0, part, acc_ref[...] + part)

    @pl.when(i == NBLK)
    def _():
        out_ref[...] = acc_ref[...]


def _pool(x, y2t, agg2, batch_r, brel):
    blk_i = lambda i: (0, jnp.maximum(i - 1, 0))
    return pl.pallas_call(
        _k3_body,
        grid=(NBLK + 1,),
        in_specs=[
            pl.BlockSpec((BLK, H), lambda i: (jnp.maximum(i - 1, 0), 0)),
            pl.BlockSpec((2, N), lambda i: (0, 0)),
            pl.BlockSpec((2, NP), lambda i: (0, 0)),
            pl.BlockSpec((1, N), lambda i: (0, 0)),
            pl.BlockSpec((2, BLK), blk_i),
            pl.BlockSpec((2, BLK), blk_i),
            pl.BlockSpec((1, BLK), blk_i),
            pl.BlockSpec((1, 1), lambda i: (0, 0)),
        ],
        out_specs=pl.BlockSpec((G, H), lambda i: (0, 0)),
        out_shape=jax.ShapeDtypeStruct((G, H), jnp.float32),
        scratch_shapes=[
            pltpu.VMEM((G, 1), jnp.float32),
            pltpu.VMEM((G, 1), jnp.float32),
            pltpu.VMEM((G, H), jnp.float32),
        ],
    )(x, y2t, agg2, batch_r, y2t, agg2, batch_r, brel)



def kernel(x, edge_index, batch, W_rel, b_rel, W_root):
    w2t = jnp.concatenate([W_rel, W_root], axis=1).T.astype(jnp.float32)
    y2t = _project(x, w2t)

    src = edge_index[0].astype(jnp.int32)
    dst = edge_index[1].astype(jnp.int32)
    npad = EP - E
    src_r = jnp.concatenate([src, jnp.zeros((npad,), jnp.int32)]).reshape(EROWS, 128)
    dst_r = jnp.concatenate(
        [dst, N + (jnp.arange(npad, dtype=jnp.int32) % (NP - N))]).reshape(EROWS, 128)
    agg2 = _edge_agg(y2t, src_r, dst_r)

    batch_r = batch.astype(jnp.int32).reshape(1, N)
    brel = b_rel.reshape(1, 1).astype(jnp.float32)
    return _pool(x, y2t, agg2, batch_r, brel)

# --- scband reference (transcript-rebuilt; emitter-appended) ---
"""Pipeline reference for scband-global-attention-pool-11647951307193 (READ-ONLY COPY).

The authoritative reference and input builder live on the scoring server;
editing this copy changes nothing except your own understanding.
"""

import jax, jax.numpy as jnp
import numpy as np

N_NODES = 10000
N_EDGES = 160000
HIDDEN = 256
NUM_GRAPHS = 64


def setup_inputs(seed: int = 0) -> dict:
    key = jax.random.key(seed)
    k_x, k_ei, k_b, k_wr, k_br, k_wl = jax.random.split(key, 6)
    x = jax.random.normal(k_x, (N_NODES, HIDDEN), dtype=jnp.float32)
    edge_index = jax.random.randint(k_ei, (2, N_EDGES), 0, N_NODES, dtype=jnp.int64)
    batch = jnp.sort(jax.random.randint(k_b, (N_NODES,), 0, NUM_GRAPHS, dtype=jnp.int64))
    # GraphConv(hidden_dim, 1) params: lin_rel (weight+bias) applied to aggregated neighbors,
    # lin_root (weight only) applied to root nodes.
    W_rel = jax.random.normal(k_wr, (HIDDEN, 1), dtype=jnp.float32) / np.sqrt(HIDDEN)
    b_rel = jnp.zeros((1,), dtype=jnp.float32)
    W_root = jax.random.normal(k_wl, (HIDDEN, 1), dtype=jnp.float32) / np.sqrt(HIDDEN)
    return {"x": x, "edge_index": edge_index, "batch": batch,
            "W_rel": W_rel, "b_rel": b_rel, "W_root": W_root}


def reference(x, edge_index, batch, W_rel, b_rel, W_root):
    src = edge_index[0]
    dst = edge_index[1]
    # GraphConv with sum aggregation: out = lin_rel(sum_{j in N(i)} x_j) + lin_root(x_i)
    agg = jax.ops.segment_sum(jnp.take(x, src, axis=0), dst, num_segments=N_NODES)
    x_conv = agg @ W_rel + b_rel + x @ W_root  # [N, 1]
    # segment softmax over nodes grouped by graph id (batch)
    seg_max = jax.ops.segment_max(x_conv, batch, num_segments=NUM_GRAPHS)
    ex = jnp.exp(x_conv - jnp.take(seg_max, batch, axis=0))
    denom = jax.ops.segment_sum(ex, batch, num_segments=NUM_GRAPHS)
    scores = ex / (jnp.take(denom, batch, axis=0) + 1e-16)  # [N, 1]
    # global_add_pool of x * scores
    global_graph_emb = jax.ops.segment_sum(x * scores, batch, num_segments=NUM_GRAPHS)
    return global_graph_emb

if __name__ == "__main__":
    import jax
    _d = setup_inputs()
    print(jax.jit(kernel)(*tuple(_d.values())))

</pallas_src>

<mosaic_0001>
#map = affine_map<(d0, d1) -> (0, 0)>
module attributes {stable_mosaic.version = 14 : i64} {
  func.func @_sc_body(%arg0: i32, %arg1: i32, %arg2: memref<2x10000xf32, #tpu.memory_space<hbm>>, %arg3: memref<1280x128xi32, #tpu.memory_space<hbm>>, %arg4: memref<1280x128xi32, #tpu.memory_space<hbm>>, %arg5: memref<40x128xf32, #tpu.memory_space<hbm>>, %arg6: memref<2x10240xf32, #tpu.memory_space<hbm>>, %arg7: memref<10000xf32, #tpu.memory_space<vmem>>, %arg8: memref<40x128xi32, #tpu.memory_space<vmem>>, %arg9: memref<40x128xi32, #tpu.memory_space<vmem>>, %arg10: memref<40x128xf32, #tpu.memory_space<vmem>>, %arg11: memref<640xf32, #tpu.memory_space<vmem>>, %arg12: memref<10240xf32, #tpu.memory_space<vmem_shared>>, %arg13: memref<!tpu.dma_semaphore, #tpu.memory_space<semaphore_mem>>, %arg14: memref<!tpu.dma_semaphore, #tpu.memory_space<semaphore_mem>>) attributes {dimension_semantics = [#tpu.dimension_semantics<core_parallel>, #tpu.dimension_semantics<subcore_parallel>], iteration_bounds = array<i64: 2, 16>, scalar_prefetch = 0 : i64, scratch_operands = 8 : i64, tpu.core_type = #tpu.core_type<sc_vector_subcore>, window_params = [{transform_indices = #map}, {transform_indices = #map}, {transform_indices = #map}, {transform_indices = #map}, {transform_indices = #map}]} {
    %mul3A = arith.constant 16 : i32
    %mul3A_0 = arith.muli %arg0, %mul3A : i32
    %add3A = arith.addi %mul3A_0, %arg1 : i32
    %dma_start3A = arith.constant 0 : i32
    %dma_start3A_1 = arith.constant 0 : i32
    %dma_start3A_2 = tpu.memref_slice %arg2[%dma_start3A, %dma_start3A_1] : memref<2x10000xf32, #tpu.memory_space<hbm>> -> memref<1x10000xf32, #tpu.memory_space<hbm>>
    %dma_start3A_3 = tpu.memref_squeeze %dma_start3A_2 : memref<1x10000xf32, #tpu.memory_space<hbm>> -> memref<10000xf32, #tpu.memory_space<hbm>>
    %dma_start3A_4 = arith.constant 0 : i32
    %dma_start3A_5 = tpu.memref_slice %arg2[%dma_start3A, %dma_start3A_4] : memref<2x10000xf32, #tpu.memory_space<hbm>> -> memref<1x10000xf32, #tpu.memory_space<hbm>>
    %dma_start3A_6 = tpu.memref_squeeze %dma_start3A_5 : memref<1x10000xf32, #tpu.memory_space<hbm>> -> memref<10000xf32, #tpu.memory_space<hbm>>
    tpu.enqueue_dma source(%dma_start3A_6 : memref<10000xf32, #tpu.memory_space<hbm>>) target(%arg7 : memref<10000xf32, #tpu.memory_space<vmem>>) target_semaphore(%arg13 : memref<!tpu.dma_semaphore, #tpu.memory_space<semaphore_mem>>)
    %mul3A_7 = arith.constant 40 : i32
    %mul3A_8 = arith.muli %add3A, %mul3A_7 : i32
    %dma_start3A_9 = arith.constant 0 : i32
    %dma_start3A_10 = tpu.memref_slice %arg3[%mul3A_8, %dma_start3A_9] : memref<1280x128xi32, #tpu.memory_space<hbm>> -> memref<40x128xi32, #tpu.memory_space<hbm>>
    %dma_start3A_11 = arith.constant 0 : i32
    %dma_start3A_12 = tpu.memref_slice %arg3[%mul3A_8, %dma_start3A_11] : memref<1280x128xi32, #tpu.memory_space<hbm>> -> memref<40x128xi32, #tpu.memory_space<hbm>>
    tpu.enqueue_dma source(%dma_start3A_12 : memref<40x128xi32, #tpu.memory_space<hbm>>) target(%arg8 : memref<40x128xi32, #tpu.memory_space<vmem>>) target_semaphore(%arg13 : memref<!tpu.dma_semaphore, #tpu.memory_space<semaphore_mem>>)
    %mul3A_13 = arith.constant 40 : i32
    %mul3A_14 = arith.muli %add3A, %mul3A_13 : i32
    %dma_start3A_15 = arith.constant 0 : i32
    %dma_start3A_16 = tpu.memref_slice %arg4[%mul3A_14, %dma_start3A_15] : memref<1280x128xi32, #tpu.memory_space<hbm>> -> memref<40x128xi32, #tpu.memory_space<hbm>>
    %dma_start3A_17 = arith.constant 0 : i32
    %dma_start3A_18 = tpu.memref_slice %arg4[%mul3A_14, %dma_start3A_17] : memref<1280x128xi32, #tpu.memory_space<hbm>> -> memref<40x128xi32, #tpu.memory_space<hbm>>
    tpu.enqueue_dma source(%dma_start3A_18 : memref<40x128xi32, #tpu.memory_space<hbm>>) target(%arg9 : memref<40x128xi32, #tpu.memory_space<vmem>>) target_semaphore(%arg13 : memref<!tpu.dma_semaphore, #tpu.memory_space<semaphore_mem>>)
    %broadcast_in_dim3A = arith.constant 0.000000e+00 : f32
    %broadcast_in_dim3A_19 = vector.broadcast %broadcast_in_dim3A : f32 to vector<16xf32>
    %swap3A = arith.constant 0 : index
    %swap3A_20 = tpu.vector_load %arg11[%swap3A] {strides = array<i32>} : memref<640xf32, #tpu.memory_space<vmem>>, vector<16xf32>,
    tpu.vector_store %arg11[%swap3A], %broadcast_in_dim3A_19 {strides = array<i32>} : memref<640xf32, #tpu.memory_space<vmem>>, vector<16xf32>,
    %swap3A_21 = arith.constant 16 : index
    %swap3A_22 = tpu.vector_load %arg11[%swap3A_21] {strides = array<i32>} : memref<640xf32, #tpu.memory_space<vmem>>, vector<16xf32>,
    tpu.vector_store %arg11[%swap3A_21], %broadcast_in_dim3A_19 {strides = array<i32>} : memref<640xf32, #tpu.memory_space<vmem>>, vector<16xf32>,
    %swap3A_23 = arith.constant 32 : index
    %swap3A_24 = tpu.vector_load %arg11[%swap3A_23] {strides = array<i32>} : memref<640xf32, #tpu.memory_space<vmem>>, vector<16xf32>,
    tpu.vector_store %arg11[%swap3A_23], %broadcast_in_dim3A_19 {strides = array<i32>} : memref<640xf32, #tpu.memory_space<vmem>>, vector<16xf32>,
    %swap3A_25 = arith.constant 48 : index
    %swap3A_26 = tpu.vector_load %arg11[%swap3A_25] {strides = array<i32>} : memref<640xf32, #tpu.memory_space<vmem>>, vector<16xf32>,
    tpu.vector_store %arg11[%swap3A_25], %broadcast_in_dim3A_19 {strides = array<i32>} : memref<640xf32, #tpu.memory_space<vmem>>, vector<16xf32>,
    %swap3A_27 = arith.constant 64 : index
    %swap3A_28 = tpu.vector_load %arg11[%swap3A_27] {strides = array<i32>} : memref<640xf32, #tpu.memory_space<vmem>>, vector<16xf32>,
    tpu.vector_store %arg11[%swap3A_27], %broadcast_in_dim3A_19 {strides = array<i32>} : memref<640xf32, #tpu.memory_space<vmem>>, vector<16xf32>,
    %swap3A_29 = arith.constant 80 : index
    %swap3A_30 = tpu.vector_load %arg11[%swap3A_29] {strides = array<i32>} : memref<640xf32, #tpu.memory_space<vmem>>, vector<16xf32>,
    tpu.vector_store %arg11[%swap3A_29], %broadcast_in_dim3A_19 {strides = array<i32>} : memref<640xf32, #tpu.memory_space<vmem>>, vector<16xf32>,
    %swap3A_31 = arith.constant 96 : index
    %swap3A_32 = tpu.vector_load %arg11[%swap3A_31] {strides = array<i32>} : memref<640xf32, #tpu.memory_space<vmem>>, vector<16xf32>,
    tpu.vector_store %arg11[%swap3A_31], %broadcast_in_dim3A_19 {strides = array<i32>} : memref<640xf32, #tpu.memory_space<vmem>>, vector<16xf32>,
    %swap3A_33 = arith.constant 112 : index
    %swap3A_34 = tpu.vector_load %arg11[%swap3A_33] {strides = array<i32>} : memref<640xf32, #tpu.memory_space<vmem>>, vector<16xf32>,
    tpu.vector_store %arg11[%swap3A_33], %broadcast_in_dim3A_19 {strides = array<i32>} : memref<640xf32, #tpu.memory_space<vmem>>, vector<16xf32>,
    %swap3A_35 = arith.constant 128 : index
    %swap3A_36 = tpu.vector_load %arg11[%swap3A_35] {strides = array<i32>} : memref<640xf32, #tpu.memory_space<vmem>>, vector<16xf32>,
    tpu.vector_store %arg11[%swap3A_35], %broadcast_in_dim3A_19 {strides = array<i32>} : memref<640xf32, #tpu.memory_space<vmem>>, vector<16xf32>,
    %swap3A_37 = arith.constant 144 : index
    %swap3A_38 = tpu.vector_load %arg11[%swap3A_37] {strides = array<i32>} : memref<640xf32, #tpu.memory_space<vmem>>, vector<16xf32>,
    tpu.vector_store %arg11[%swap3A_37], %broadcast_in_dim3A_19 {strides = array<i32>} : memref<640xf32, #tpu.memory_space<vmem>>, vector<16xf32>,
    %swap3A_39 = arith.constant 160 : index
    %swap3A_40 = tpu.vector_load %arg11[%swap3A_39] {strides = array<i32>} : memref<640xf32, #tpu.memory_space<vmem>>, vector<16xf32>,
    tpu.vector_store %arg11[%swap3A_39], %broadcast_in_dim3A_19 {strides = array<i32>} : memref<640xf32, #tpu.memory_space<vmem>>, vector<16xf32>,
    %swap3A_41 = arith.constant 176 : index
    %swap3A_42 = tpu.vector_load %arg11[%swap3A_41] {strides = array<i32>} : memref<640xf32, #tpu.memory_space<vmem>>, vector<16xf32>,
    tpu.vector_store %arg11[%swap3A_41], %broadcast_in_dim3A_19 {strides = array<i32>} : memref<640xf32, #tpu.memory_space<vmem>>, vector<16xf32>,
    %swap3A_43 = arith.constant 192 : index
    %swap3A_44 = tpu.vector_load %arg11[%swap3A_43] {strides = array<i32>} : memref<640xf32, #tpu.memory_space<vmem>>, vector<16xf32>,
    tpu.vector_store %arg11[%swap3A_43], %broadcast_in_dim3A_19 {strides = array<i32>} : memref<640xf32, #tpu.memory_space<vmem>>, vector<16xf32>,
    %swap3A_45 = arith.constant 208 : index
    %swap3A_46 = tpu.vector_load %arg11[%swap3A_45] {strides = array<i32>} : memref<640xf32, #tpu.memory_space<vmem>>, vector<16xf32>,
    tpu.vector_store %arg11[%swap3A_45], %broadcast_in_dim3A_19 {strides = array<i32>} : memref<640xf32, #tpu.memory_space<vmem>>, vector<16xf32>,
    %swap3A_47 = arith.constant 224 : index
    %swap3A_48 = tpu.vector_load %arg11[%swap3A_47] {strides = array<i32>} : memref<640xf32, #tpu.memory_space<vmem>>, vector<16xf32>,
    tpu.vector_store %arg11[%swap3A_47], %broadcast_in_dim3A_19 {strides = array<i32>} : memref<640xf32, #tpu.memory_space<vmem>>, vector<16xf32>,
    %swap3A_49 = arith.constant 240 : index
    %swap3A_50 = tpu.vector_load %arg11[%swap3A_49] {strides = array<i32>} : memref<640xf32, #tpu.memory_space<vmem>>, vector<16xf32>,
    tpu.vector_store %arg11[%swap3A_49], %broadcast_in_dim3A_19 {strides = array<i32>} : memref<640xf32, #tpu.memory_space<vmem>>, vector<16xf32>,
    %swap3A_51 = arith.constant 256 : index
    %swap3A_52 = tpu.vector_load %arg11[%swap3A_51] {strides = array<i32>} : memref<640xf32, #tpu.memory_space<vmem>>, vector<16xf32>,
    tpu.vector_store %arg11[%swap3A_51], %broadcast_in_dim3A_19 {strides = array<i32>} : memref<640xf32, #tpu.memory_space<vmem>>, vector<16xf32>,
    %swap3A_53 = arith.constant 272 : index
    %swap3A_54 = tpu.vector_load %arg11[%swap3A_53] {strides = array<i32>} : memref<640xf32, #tpu.memory_space<vmem>>, vector<16xf32>,
    tpu.vector_store %arg11[%swap3A_53], %broadcast_in_dim3A_19 {strides = array<i32>} : memref<640xf32, #tpu.memory_space<vmem>>, vector<16xf32>,
    %swap3A_55 = arith.constant 288 : index
    %swap3A_56 = tpu.vector_load %arg11[%swap3A_55] {strides = array<i32>} : memref<640xf32, #tpu.memory_space<vmem>>, vector<16xf32>,
    tpu.vector_store %arg11[%swap3A_55], %broadcast_in_dim3A_19 {strides = array<i32>} : memref<640xf32, #tpu.memory_space<vmem>>, vector<16xf32>,
    %swap3A_57 = arith.constant 304 : index
    %swap3A_58 = tpu.vector_load %arg11[%swap3A_57] {strides = array<i32>} : memref<640xf32, #tpu.memory_space<vmem>>, vector<16xf32>,
    tpu.vector_store %arg11[%swap3A_57], %broadcast_in_dim3A_19 {strides = array<i32>} : memref<640xf32, #tpu.memory_space<vmem>>, vector<16xf32>,
    %swap3A_59 = arith.constant 320 : index
    %swap3A_60 = tpu.vector_load %arg11[%swap3A_59] {strides = array<i32>} : memref<640xf32, #tpu.memory_space<vmem>>, vector<16xf32>,
    tpu.vector_store %arg11[%swap3A_59], %broadcast_in_dim3A_19 {strides = array<i32>} : memref<640xf32, #tpu.memory_space<vmem>>, vector<16xf32>,
    %swap3A_61 = arith.constant 336 : index
    %swap3A_62 = tpu.vector_load %arg11[%swap3A_61] {strides = array<i32>} : memref<640xf32, #tpu.memory_space<vmem>>, vector<16xf32>,
    tpu.vector_store %arg11[%swap3A_61], %broadcast_in_dim3A_19 {strides = array<i32>} : memref<640xf32, #tpu.memory_space<vmem>>, vector<16xf32>,
    %swap3A_63 = arith.constant 352 : index
    %swap3A_64 = tpu.vector_load %arg11[%swap3A_63] {strides = array<i32>} : memref<640xf32, #tpu.memory_space<vmem>>, vector<16xf32>,
    tpu.vector_store %arg11[%swap3A_63], %broadcast_in_dim3A_19 {strides = array<i32>} : memref<640xf32, #tpu.memory_space<vmem>>, vector<16xf32>,
    %swap3A_65 = arith.constant 368 : index
    %swap3A_66 = tpu.vector_load %arg11[%swap3A_65] {strides = array<i32>} : memref<640xf32, #tpu.memory_space<vmem>>, vector<16xf32>,
    tpu.vector_store %arg11[%swap3A_65], %broadcast_in_dim3A_19 {strides = array<i32>} : memref<640xf32, #tpu.memory_space<vmem>>, vector<16xf32>,
    %swap3A_67 = arith.constant 384 : index
    %swap3A_68 = tpu.vector_load %arg11[%swap3A_67] {strides = array<i32>} : memref<640xf32, #tpu.memory_space<vmem>>, vector<16xf32>,
    tpu.vector_store %arg11[%swap3A_67], %broadcast_in_dim3A_19 {strides = array<i32>} : memref<640xf32, #tpu.memory_space<vmem>>, vector<16xf32>,
    %swap3A_69 = arith.constant 400 : index
    %swap3A_70 = tpu.vector_load %arg11[%swap3A_69] {strides = array<i32>} : memref<640xf32, #tpu.memory_space<vmem>>, vector<16xf32>,
    tpu.vector_store %arg11[%swap3A_69], %broadcast_in_dim3A_19 {strides = array<i32>} : memref<640xf32, #tpu.memory_space<vmem>>, vector<16xf32>,
    %swap3A_71 = arith.constant 416 : index
    %swap3A_72 = tpu.vector_load %arg11[%swap3A_71] {strides = array<i32>} : memref<640xf32, #tpu.memory_space<vmem>>, vector<16xf32>,
    tpu.vector_store %arg11[%swap3A_71], %broadcast_in_dim3A_19 {strides = array<i32>} : memref<640xf32, #tpu.memory_space<vmem>>, vector<16xf32>,
    %swap3A_73 = arith.constant 432 : index
    %swap3A_74 = tpu.vector_load %arg11[%swap3A_73] {strides = array<i32>} : memref<640xf32, #tpu.memory_space<vmem>>, vector<16xf32>,
    tpu.vector_store %arg11[%swap3A_73], %broadcast_in_dim3A_19 {strides = array<i32>} : memref<640xf32, #tpu.memory_space<vmem>>, vector<16xf32>,
    %swap3A_75 = arith.constant 448 : index
    %swap3A_76 = tpu.vector_load %arg11[%swap3A_75] {strides = array<i32>} : memref<640xf32, #tpu.memory_space<vmem>>, vector<16xf32>,
    tpu.vector_store %arg11[%swap3A_75], %broadcast_in_dim3A_19 {strides = array<i32>} : memref<640xf32, #tpu.memory_space<vmem>>, vector<16xf32>,
    %swap3A_77 = arith.constant 464 : index
    %swap3A_78 = tpu.vector_load %arg11[%swap3A_77] {strides = array<i32>} : memref<640xf32, #tpu.memory_space<vmem>>, vector<16xf32>,
    tpu.vector_store %arg11[%swap3A_77], %broadcast_in_dim3A_19 {strides = array<i32>} : memref<640xf32, #tpu.memory_space<vmem>>, vector<16xf32>,
    %swap3A_79 = arith.constant 480 : index
    %swap3A_80 = tpu.vector_load %arg11[%swap3A_79] {strides = array<i32>} : memref<640xf32, #tpu.memory_space<vmem>>, vector<16xf32>,
    tpu.vector_store %arg11[%swap3A_79], %broadcast_in_dim3A_19 {strides = array<i32>} : memref<640xf32, #tpu.memory_space<vmem>>, vector<16xf32>,
    %swap3A_81 = arith.constant 496 : index
    %swap3A_82 = tpu.vector_load %arg11[%swap3A_81] {strides = array<i32>} : memref<640xf32, #tpu.memory_space<vmem>>, vector<16xf32>,
    tpu.vector_store %arg11[%swap3A_81], %broadcast_in_dim3A_19 {strides = array<i32>} : memref<640xf32, #tpu.memory_space<vmem>>, vector<16xf32>,
    %swap3A_83 = arith.constant 512 : index
    %swap3A_84 = tpu.vector_load %arg11[%swap3A_83] {strides = array<i32>} : memref<640xf32, #tpu.memory_space<vmem>>, vector<16xf32>,
    tpu.vector_store %arg11[%swap3A_83], %broadcast_in_dim3A_19 {strides = array<i32>} : memref<640xf32, #tpu.memory_space<vmem>>, vector<16xf32>,
    %swap3A_85 = arith.constant 528 : index
    %swap3A_86 = tpu.vector_load %arg11[%swap3A_85] {strides = array<i32>} : memref<640xf32, #tpu.memory_space<vmem>>, vector<16xf32>,
    tpu.vector_store %arg11[%swap3A_85], %broadcast_in_dim3A_19 {strides = array<i32>} : memref<640xf32, #tpu.memory_space<vmem>>, vector<16xf32>,
    %swap3A_87 = arith.constant 544 : index
    %swap3A_88 = tpu.vector_load %arg11[%swap3A_87] {strides = array<i32>} : memref<640xf32, #tpu.memory_space<vmem>>, vector<16xf32>,
    tpu.vector_store %arg11[%swap3A_87], %broadcast_in_dim3A_19 {strides = array<i32>} : memref<640xf32, #tpu.memory_space<vmem>>, vector<16xf32>,
    %swap3A_89 = arith.constant 560 : index
    %swap3A_90 = tpu.vector_load %arg11[%swap3A_89] {strides = array<i32>} : memref<640xf32, #tpu.memory_space<vmem>>, vector<16xf32>,
    tpu.vector_store %arg11[%swap3A_89], %broadcast_in_dim3A_19 {strides = array<i32>} : memref<640xf32, #tpu.memory_space<vmem>>, vector<16xf32>,
    %swap3A_91 = arith.constant 576 : index
    %swap3A_92 = tpu.vector_load %arg11[%swap3A_91] {strides = array<i32>} : memref<640xf32, #tpu.memory_space<vmem>>, vector<16xf32>,
    tpu.vector_store %arg11[%swap3A_91], %broadcast_in_dim3A_19 {strides = array<i32>} : memref<640xf32, #tpu.memory_space<vmem>>, vector<16xf32>,
    %swap3A_93 = arith.constant 592 : index
    %swap3A_94 = tpu.vector_load %arg11[%swap3A_93] {strides = array<i32>} : memref<640xf32, #tpu.memory_space<vmem>>, vector<16xf32>,
    tpu.vector_store %arg11[%swap3A_93], %broadcast_in_dim3A_19 {strides = array<i32>} : memref<640xf32, #tpu.memory_space<vmem>>, vector<16xf32>,
    %swap3A_95 = arith.constant 608 : index
    %swap3A_96 = tpu.vector_load %arg11[%swap3A_95] {strides = array<i32>} : memref<640xf32, #tpu.memory_space<vmem>>, vector<16xf32>,
    tpu.vector_store %arg11[%swap3A_95], %broadcast_in_dim3A_19 {strides = array<i32>} : memref<640xf32, #tpu.memory_space<vmem>>, vector<16xf32>,
    %swap3A_97 = arith.constant 624 : index
    %swap3A_98 = tpu.vector_load %arg11[%swap3A_97] {strides = array<i32>} : memref<640xf32, #tpu.memory_space<vmem>>, vector<16xf32>,
    tpu.vector_store %arg11[%swap3A_97], %broadcast_in_dim3A_19 {strides = array<i32>} : memref<640xf32, #tpu.memory_space<vmem>>, vector<16xf32>,
    %mul3A_99 = arith.constant 640 : i32
    %mul3A_100 = arith.muli %arg1, %mul3A_99 : i32
    "tpu.region"() ({
      %run_scoped3A = tpu.sem_alloc : memref<!tpu.dma_semaphore, #tpu.memory_space<semaphore_mem>>
      %dma_start3A_125 = tpu.memref_slice %arg12[%mul3A_100] : memref<10240xf32, #tpu.memory_space<vmem_shared>> -> memref<640xf32, #tpu.memory_space<vmem_shared>>
      %dma_start3A_126 = tpu.memref_slice %arg12[%mul3A_100] : memref<10240xf32, #tpu.memory_space<vmem_shared>> -> memref<640xf32, #tpu.memory_space<vmem_shared>>
      tpu.enqueue_dma source(%arg11 : memref<640xf32, #tpu.memory_space<vmem>>) target(%dma_start3A_126 : memref<640xf32, #tpu.memory_space<vmem_shared>>) target_semaphore(%run_scoped3A : memref<!tpu.dma_semaphore, #tpu.memory_space<semaphore_mem>>)
      %dma_wait3A_127 = tpu.memref_slice %arg12[%mul3A_100] : memref<10240xf32, #tpu.memory_space<vmem_shared>> -> memref<640xf32, #tpu.memory_space<vmem_shared>>
      %dma_wait3A_128 = tpu.memref_slice %arg12[%mul3A_100] : memref<10240xf32, #tpu.memory_space<vmem_shared>> -> memref<640xf32, #tpu.memory_space<vmem_shared>>
      tpu.wait_dma2 semaphore(%run_scoped3A : memref<!tpu.dma_semaphore, #tpu.memory_space<semaphore_mem>>) src(%arg11 : memref<640xf32, #tpu.memory_space<vmem>>) dst(%dma_wait3A_128 : memref<640xf32, #tpu.memory_space<vmem_shared>>)
      tpu.yield
    }) : () -> ()
    %dma_wait3A = arith.constant 0 : i32
    %dma_wait3A_101 = arith.constant 0 : i32
    %dma_wait3A_102 = tpu.memref_slice %arg2[%dma_wait3A, %dma_wait3A_101] : memref<2x10000xf32, #tpu.memory_space<hbm>> -> memref<1x10000xf32, #tpu.memory_space<hbm>>
    %dma_wait3A_103 = tpu.memref_squeeze %dma_wait3A_102 : memref<1x10000xf32, #tpu.memory_space<hbm>> -> memref<10000xf32, #tpu.memory_space<hbm>>
    %dma_wait3A_104 = arith.constant 0 : i32
    %dma_wait3A_105 = tpu.memref_slice %arg2[%dma_wait3A, %dma_wait3A_104] : memref<2x10000xf32, #tpu.memory_space<hbm>> -> memref<1x10000xf32, #tpu.memory_space<hbm>>
    %dma_wait3A_106 = tpu.memref_squeeze %dma_wait3A_105 : memref<1x10000xf32, #tpu.memory_space<hbm>> -> memref<10000xf32, #tpu.memory_space<hbm>>
    tpu.wait_dma2 semaphore(%arg13 : memref<!tpu.dma_semaphore, #tpu.memory_space<semaphore_mem>>) src(%dma_wait3A_106 : memref<10000xf32, #tpu.memory_space<hbm>>) dst(%arg7 : memref<10000xf32, #tpu.memory_space<vmem>>)
    %dma_wait3A_107 = arith.constant 0 : i32
    %dma_wait3A_108 = tpu.memref_slice %arg3[%mul3A_8, %dma_wait3A_107] : memref<1280x128xi32, #tpu.memory_space<hbm>> -> memref<40x128xi32, #tpu.memory_space<hbm>>
    %dma_wait3A_109 = arith.constant 0 : i32
    %dma_wait3A_110 = tpu.memref_slice %arg3[%mul3A_8, %dma_wait3A_109] : memref<1280x128xi32, #tpu.memory_space<hbm>> -> memref<40x128xi32, #tpu.memory_space<hbm>>
    tpu.wait_dma2 semaphore(%arg13 : memref<!tpu.dma_semaphore, #tpu.memory_space<semaphore_mem>>) src(%dma_wait3A_110 : memref<40x128xi32, #tpu.memory_space<hbm>>) dst(%arg8 : memref<40x128xi32, #tpu.memory_space<vmem>>)
    %dma_wait3A_111 = arith.constant 0 : i32
    %dma_wait3A_112 = tpu.memref_slice %arg4[%mul3A_14, %dma_wait3A_111] : memref<1280x128xi32, #tpu.memory_space<hbm>> -> memref<40x128xi32, #tpu.memory_space<hbm>>
    %dma_wait3A_113 = arith.constant 0 : i32
    %dma_wait3A_114 = tpu.memref_slice %arg4[%mul3A_14, %dma_wait3A_113] : memref<1280x128xi32, #tpu.memory_space<hbm>> -> memref<40x128xi32, #tpu.memory_space<hbm>>
    tpu.wait_dma2 semaphore(%arg13 : memref<!tpu.dma_semaphore, #tpu.memory_space<semaphore_mem>>) src(%dma_wait3A_114 : memref<40x128xi32, #tpu.memory_space<hbm>>) dst(%arg9 : memref<40x128xi32, #tpu.memory_space<vmem>>)
    %barrier3A = arith.constant 0 : index
    tpu.barrier barrier_id(%barrier3A)
    %scan3A = arith.constant 0 : i32
    %scan3A_115 = arith.constant 0 : i32
    %scan3A_116 = arith.constant 40 : i32
    %scan3A_117 = arith.addi %scan3A_115, %scan3A_116 : i32
    %scan3A_118 = arith.constant 1 : i32
    scf.for %scan3A_125 = %scan3A_115 to %scan3A_117 step %scan3A_118  : i32 {
      %get3A = arith.index_cast %scan3A_125 : i32 to index
      %get3A_126 = arith.constant 0 : index
      %get3A_127 = tpu.vector_load %arg8[%get3A, %get3A_126] {strides = array<i32>} : memref<40x128xi32, #tpu.memory_space<vmem>>, vector<16xi32>,
      %gather3A = tpu.vector_load_idx %arg7[%get3A_127] : memref<10000xf32, #tpu.memory_space<vmem>>[vector<16xi32>], vector<16xf32>,
      %swap3A_128 = arith.index_cast %scan3A_125 : i32 to index
      %swap3A_129 = arith.constant 0 : index
      %swap3A_130 = tpu.vector_load %arg10[%swap3A_128, %swap3A_129] {strides = array<i32>} : memref<40x128xf32, #tpu.memory_space<vmem>>, vector<16xf32>,
      tpu.vector_store %arg10[%swap3A_128, %swap3A_129], %gather3A {strides = array<i32>} : memref<40x128xf32, #tpu.memory_space<vmem>>, vector<16xf32>,
      %get3A_131 = arith.index_cast %scan3A_125 : i32 to index
      %get3A_132 = arith.constant 16 : index
      %get3A_133 = tpu.vector_load %arg8[%get3A_131, %get3A_132] {strides = array<i32>} : memref<40x128xi32, #tpu.memory_space<vmem>>, vector<16xi32>,
      %gather3A_134 = tpu.vector_load_idx %arg7[%get3A_133] : memref<10000xf32, #tpu.memory_space<vmem>>[vector<16xi32>], vector<16xf32>,
      %swap3A_135 = arith.index_cast %scan3A_125 : i32 to index
      %swap3A_136 = arith.constant 16 : index
      %swap3A_137 = tpu.vector_load %arg10[%swap3A_135, %swap3A_136] {strides = array<i32>} : memref<40x128xf32, #tpu.memory_space<vmem>>, vector<16xf32>,
      tpu.vector_store %arg10[%swap3A_135, %swap3A_136], %gather3A_134 {strides = array<i32>} : memref<40x128xf32, #tpu.memory_space<vmem>>, vector<16xf32>,
      %get3A_138 = arith.index_cast %scan3A_125 : i32 to index
      %get3A_139 = arith.constant 32 : index
      %get3A_140 = tpu.vector_load %arg8[%get3A_138, %get3A_139] {strides = array<i32>} : memref<40x128xi32, #tpu.memory_space<vmem>>, vector<16xi32>,
      %gather3A_141 = tpu.vector_load_idx %arg7[%get3A_140] : memref<10000xf32, #tpu.memory_space<vmem>>[vector<16xi32>], vector<16xf32>,
      %swap3A_142 = arith.index_cast %scan3A_125 : i32 to index
      %swap3A_143 = arith.constant 32 : index
      %swap3A_144 = tpu.vector_load %arg10[%swap3A_142, %swap3A_143] {strides = array<i32>} : memref<40x128xf32, #tpu.memory_space<vmem>>, vector<16xf32>,
      tpu.vector_store %arg10[%swap3A_142, %swap3A_143], %gather3A_141 {strides = array<i32>} : memref<40x128xf32, #tpu.memory_space<vmem>>, vector<16xf32>,
      %get3A_145 = arith.index_cast %scan3A_125 : i32 to index
      %get3A_146 = arith.constant 48 : index
      %get3A_147 = tpu.vector_load %arg8[%get3A_145, %get3A_146] {strides = array<i32>} : memref<40x128xi32, #tpu.memory_space<vmem>>, vector<16xi32>,
      %gather3A_148 = tpu.vector_load_idx %arg7[%get3A_147] : memref<10000xf32, #tpu.memory_space<vmem>>[vector<16xi32>], vector<16xf32>,
      %swap3A_149 = arith.index_cast %scan3A_125 : i32 to index
      %swap3A_150 = arith.constant 48 : index
      %swap3A_151 = tpu.vector_load %arg10[%swap3A_149, %swap3A_150] {strides = array<i32>} : memref<40x128xf32, #tpu.memory_space<vmem>>, vector<16xf32>,
      tpu.vector_store %arg10[%swap3A_149, %swap3A_150], %gather3A_148 {strides = array<i32>} : memref<40x128xf32, #tpu.memory_space<vmem>>, vector<16xf32>,
      %get3A_152 = arith.index_cast %scan3A_125 : i32 to index
      %get3A_153 = arith.constant 64 : index
      %get3A_154 = tpu.vector_load %arg8[%get3A_152, %get3A_153] {strides = array<i32>} : memref<40x128xi32, #tpu.memory_space<vmem>>, vector<16xi32>,
      %gather3A_155 = tpu.vector_load_idx %arg7[%get3A_154] : memref<10000xf32, #tpu.memory_space<vmem>>[vector<16xi32>], vector<16xf32>,
      %swap3A_156 = arith.index_cast %scan3A_125 : i32 to index
      %swap3A_157 = arith.constant 64 : index
      %swap3A_158 = tpu.vector_load %arg10[%swap3A_156, %swap3A_157] {strides = array<i32>} : memref<40x128xf32, #tpu.memory_space<vmem>>, vector<16xf32>,
      tpu.vector_store %arg10[%swap3A_156, %swap3A_157], %gather3A_155 {strides = array<i32>} : memref<40x128xf32, #tpu.memory_space<vmem>>, vector<16xf32>,
      %get3A_159 = arith.index_cast %scan3A_125 : i32 to index
      %get3A_160 = arith.constant 80 : index
      %get3A_161 = tpu.vector_load %arg8[%get3A_159, %get3A_160] {strides = array<i32>} : memref<40x128xi32, #tpu.memory_space<vmem>>, vector<16xi32>,
      %gather3A_162 = tpu.vector_load_idx %arg7[%get3A_161] : memref<10000xf32, #tpu.memory_space<vmem>>[vector<16xi32>], vector<16xf32>,
      %swap3A_163 = arith.index_cast %scan3A_125 : i32 to index
      %swap3A_164 = arith.constant 80 : index
      %swap3A_165 = tpu.vector_load %arg10[%swap3A_163, %swap3A_164] {strides = array<i32>} : memref<40x128xf32, #tpu.memory_space<vmem>>, vector<16xf32>,
      tpu.vector_store %arg10[%swap3A_163, %swap3A_164], %gather3A_162 {strides = array<i32>} : memref<40x128xf32, #tpu.memory_space<vmem>>, vector<16xf32>,
      %get3A_166 = arith.index_cast %scan3A_125 : i32 to index
      %get3A_167 = arith.constant 96 : index
      %get3A_168 = tpu.vector_load %arg8[%get3A_166, %get3A_167] {strides = array<i32>} : memref<40x128xi32, #tpu.memory_space<vmem>>, vector<16xi32>,
      %gather3A_169 = tpu.vector_load_idx %arg7[%get3A_168] : memref<10000xf32, #tpu.memory_space<vmem>>[vector<16xi32>], vector<16xf32>,
      %swap3A_170 = arith.index_cast %scan3A_125 : i32 to index
      %swap3A_171 = arith.constant 96 : index
      %swap3A_172 = tpu.vector_load %arg10[%swap3A_170, %swap3A_171] {strides = array<i32>} : memref<40x128xf32, #tpu.memory_space<vmem>>, vector<16xf32>,
      tpu.vector_store %arg10[%swap3A_170, %swap3A_171], %gather3A_169 {strides = array<i32>} : memref<40x128xf32, #tpu.memory_space<vmem>>, vector<16xf32>,
      %get3A_173 = arith.index_cast %scan3A_125 : i32 to index
      %get3A_174 = arith.constant 112 : index
      %get3A_175 = tpu.vector_load %arg8[%get3A_173, %get3A_174] {strides = array<i32>} : memref<40x128xi32, #tpu.memory_space<vmem>>, vector<16xi32>,
      %gather3A_176 = tpu.vector_load_idx %arg7[%get3A_175] : memref<10000xf32, #tpu.memory_space<vmem>>[vector<16xi32>], vector<16xf32>,
      %swap3A_177 = arith.index_cast %scan3A_125 : i32 to index
      %swap3A_178 = arith.constant 112 : index
      %swap3A_179 = tpu.vector_load %arg10[%swap3A_177, %swap3A_178] {strides = array<i32>} : memref<40x128xf32, #tpu.memory_space<vmem>>, vector<16xf32>,
      tpu.vector_store %arg10[%swap3A_177, %swap3A_178], %gather3A_176 {strides = array<i32>} : memref<40x128xf32, #tpu.memory_space<vmem>>, vector<16xf32>,
      %dma_start3A_180 = arith.constant 0 : i32
      %dma_start3A_181 = tpu.memref_slice %arg10[%scan3A_125, %dma_start3A_180] : memref<40x128xf32, #tpu.memory_space<vmem>> -> memref<1x128xf32, #tpu.memory_space<vmem>>
      %dma_start3A_182 = tpu.memref_squeeze %dma_start3A_181 : memref<1x128xf32, #tpu.memory_space<vmem>> -> memref<128xf32, #tpu.memory_space<vmem>>
      %dma_start3A_183 = arith.constant 0 : i32
      %dma_start3A_184 = tpu.memref_slice %arg9[%scan3A_125, %dma_start3A_183] : memref<40x128xi32, #tpu.memory_space<vmem>> -> memref<1x128xi32, #tpu.memory_space<vmem>>
      %dma_start3A_185 = tpu.memref_squeeze %dma_start3A_184 : memref<1x128xi32, #tpu.memory_space<vmem>> -> memref<128xi32, #tpu.memory_space<vmem>>
      %dma_start3A_186 = arith.constant 0 : i32
      %dma_start3A_187 = tpu.memref_slice %arg12[%dma_start3A_186] : memref<10240xf32, #tpu.memory_space<vmem_shared>> -> memref<10240xf32, #tpu.memory_space<vmem_shared>>
      tpu.enqueue_indirect_dma source(%dma_start3A_182 : memref<128xf32, #tpu.memory_space<vmem>>) target(%dma_start3A_187 : memref<10240xf32, #tpu.memory_space<vmem_shared>>) offsets(%dma_start3A_185 : memref<128xi32, #tpu.memory_space<vmem>>) semaphore(%arg14 : memref<!tpu.dma_semaphore, #tpu.memory_space<semaphore_mem>>) {add = true}
    }
    %scan3A_119 = arith.constant 40 : i32
    tpu.wait_dma2 semaphore(%arg14 : memref<!tpu.dma_semaphore, #tpu.memory_space<semaphore_mem>>) src(%arg5 : memref<40x128xf32, #tpu.memory_space<hbm>>) dst(%arg10 : memref<40x128xf32, #tpu.memory_space<vmem>>)
    %barrier3A_120 = arith.constant 0 : index
    tpu.barrier barrier_id(%barrier3A_120)
    %mul3A_121 = arith.constant 640 : i32
    %mul3A_122 = arith.muli %arg1, %mul3A_121 : i32
    %mul3A_123 = arith.constant 640 : i32
    %mul3A_124 = arith.muli %arg1, %mul3A_123 : i32
    "tpu.region"() ({
      %run_scoped3A = tpu.sem_alloc : memref<!tpu.dma_semaphore, #tpu.memory_space<semaphore_mem>>
      %dma_start3A_125 = tpu.memref_slice %arg6[%arg0, %mul3A_124] : memref<2x10240xf32, #tpu.memory_space<hbm>> -> memref<1x640xf32, #tpu.memory_space<hbm>>
      %dma_start3A_126 = tpu.memref_squeeze %dma_start3A_125 : memref<1x640xf32, #tpu.memory_space<hbm>> -> memref<640xf32, #tpu.memory_space<hbm>>
      %dma_start3A_127 = tpu.memref_slice %arg12[%mul3A_122] : memref<10240xf32, #tpu.memory_space<vmem_shared>> -> memref<640xf32, #tpu.memory_space<vmem_shared>>
      tpu.enqueue_dma source(%dma_start3A_127 : memref<640xf32, #tpu.memory_space<vmem_shared>>) target(%dma_start3A_126 : memref<640xf32, #tpu.memory_space<hbm>>) target_semaphore(%run_scoped3A : memref<!tpu.dma_semaphore, #tpu.memory_space<semaphore_mem>>)
      %dma_wait3A_128 = tpu.memref_slice %arg6[%arg0, %mul3A_124] : memref<2x10240xf32, #tpu.memory_space<hbm>> -> memref<1x640xf32, #tpu.memory_space<hbm>>
      %dma_wait3A_129 = tpu.memref_squeeze %dma_wait3A_128 : memref<1x640xf32, #tpu.memory_space<hbm>> -> memref<640xf32, #tpu.memory_space<hbm>>
      %dma_wait3A_130 = tpu.memref_slice %arg12[%mul3A_122] : memref<10240xf32, #tpu.memory_space<vmem_shared>> -> memref<640xf32, #tpu.memory_space<vmem_shared>>
      tpu.wait_dma2 semaphore(%run_scoped3A : memref<!tpu.dma_semaphore, #tpu.memory_space<semaphore_mem>>) src(%dma_wait3A_130 : memref<640xf32, #tpu.memory_space<vmem_shared>>) dst(%dma_wait3A_129 : memref<640xf32, #tpu.memory_space<hbm>>)
      tpu.yield
    }) : () -> ()
    return
  }
}

module attributes {stable_mosaic.version = 14 : i64} {
  func.func @_k1_body(%arg0: i32, %arg1: memref<2560x256xf32, #tpu.memory_space<vmem>>, %arg2: memref<2x256xf32, #tpu.memory_space<vmem>>, %arg3: memref<2x2560xf32, #tpu.memory_space<vmem>>) attributes {dimension_semantics = [#tpu.dimension_semantics<arbitrary>], iteration_bounds = array<i64: 4>, scalar_prefetch = 0 : i64, scratch_operands = 0 : i64, tpu.core_type = #tpu.core_type<tc>, window_params = [{transform_indices = @transform_0, window_bounds = array<i64: 2560, 256>}, {pipeline_mode = #tpu.pipeline_mode<synchronous>, transform_indices = @transform_1, window_bounds = array<i64: 2, 256>}, {transform_indices = @transform_2, window_bounds = array<i64: 2, 2560>}]} {
    %get3A = arith.constant 0 : index
    %get3A_0 = arith.constant 0 : index
    %get3A_1 = vector.load %arg2[%get3A, %get3A_0] : memref<2x256xf32, #tpu.memory_space<vmem>>, vector<2x256xf32>
    %get3A_2 = arith.constant 0 : index
    %get3A_3 = arith.constant 0 : index
    %get3A_4 = vector.load %arg1[%get3A_2, %get3A_3] : memref<2560x256xf32, #tpu.memory_space<vmem>>, vector<2560x256xf32>
    %dot_general3A = arith.constant dense<0.000000e+00> : vector<2x2560xf32>
    %dot_general3A_5 = tpu.matmul %get3A_1, %get3A_4, %dot_general3A {dimension_numbers = #tpu.dot_dimension_numbers<[1], [1], [0], [0], [0, 0, 1, 0], [], []>, transpose_lhs_hint = false} : vector<2x256xf32>, vector<2560x256xf32>, vector<2x2560xf32> -> vector<2x2560xf32>
    %swap3A = arith.constant 0 : index
    %swap3A_6 = arith.constant 0 : index
    %swap3A_7 = vector.load %arg3[%swap3A, %swap3A_6] : memref<2x2560xf32, #tpu.memory_space<vmem>>, vector<2x2560xf32>
    tpu.vector_store %arg3[%swap3A, %swap3A_6], %dot_general3A_5 {strides = array<i32>} : memref<2x2560xf32, #tpu.memory_space<vmem>>, vector<2x2560xf32>,
    return
  }
  func.func @transform_0(%arg0: i32) -> (i32, i32) {
    %c0_i32 = arith.constant 0 : i32
    %c0_i32_0 = arith.constant 0 : i32
    return %arg0, %c0_i32 : i32, i32
  }
  func.func @transform_1(%arg0: i32) -> (i32, i32) {
    %c0_i32 = arith.constant 0 : i32
    %c0_i32_0 = arith.constant 0 : i32
    %c0_i32_1 = arith.constant 0 : i32
    return %c0_i32, %c0_i32_0 : i32, i32
  }
  func.func @transform_2(%arg0: i32) -> (i32, i32) {
    %c0_i32 = arith.constant 0 : i32
    %c0_i32_0 = arith.constant 0 : i32
    return %c0_i32, %arg0 : i32, i32
  }
}

module attributes {stable_mosaic.version = 14 : i64} {
  func.func @_k3_body(%arg0: i32, %arg1: memref<2560x256xf32, #tpu.memory_space<vmem>>, %arg2: memref<2x10000xf32, #tpu.memory_space<vmem>>, %arg3: memref<2x10240xf32, #tpu.memory_space<vmem>>, %arg4: memref<1x10000xi32, #tpu.memory_space<vmem>>, %arg5: memref<2x2560xf32, #tpu.memory_space<vmem>>, %arg6: memref<2x2560xf32, #tpu.memory_space<vmem>>, %arg7: memref<1x2560xi32, #tpu.memory_space<vmem>>, %arg8: memref<1x1xf32, #tpu.memory_space<vmem>>, %arg9: memref<64x256xf32, #tpu.memory_space<vmem>>, %arg10: memref<64x1xf32, #tpu.memory_space<vmem>>, %arg11: memref<64x1xf32, #tpu.memory_space<vmem>>, %arg12: memref<64x256xf32, #tpu.memory_space<vmem>>) attributes {dimension_semantics = [#tpu.dimension_semantics<arbitrary>], iteration_bounds = array<i64: 5>, scalar_prefetch = 0 : i64, scratch_operands = 3 : i64, tpu.core_type = #tpu.core_type<tc>, window_params = [{transform_indices = @transform_0, window_bounds = array<i64: 2560, 256>}, {pipeline_mode = #tpu.pipeline_mode<synchronous>, transform_indices = @transform_1, window_bounds = array<i64: 2, 10000>}, {pipeline_mode = #tpu.pipeline_mode<synchronous>, transform_indices = @transform_2, window_bounds = array<i64: 2, 10240>}, {pipeline_mode = #tpu.pipeline_mode<synchronous>, transform_indices = @transform_3, window_bounds = array<i64: 1, 10000>}, {transform_indices = @transform_4, window_bounds = array<i64: 2, 2560>}, {transform_indices = @transform_5, window_bounds = array<i64: 2, 2560>}, {transform_indices = @transform_6, window_bounds = array<i64: 1, 2560>}, {pipeline_mode = #tpu.pipeline_mode<synchronous>, transform_indices = @transform_7, window_bounds = array<i64: 1, 1>}, {pipeline_mode = #tpu.pipeline_mode<synchronous>, transform_indices = @transform_8, window_bounds = array<i64: 64, 256>}]} {
    %eq3A = arith.constant 0 : i32
    %eq3A_0 = arith.cmpi eq, %arg0, %eq3A : i32
    %convert_element_type3A = arith.extui %eq3A_0 : i1 to i32
    %cond3A = arith.constant 0xFF800000 : f32
    %cond3A_1 = arith.constant 0 : i32
    %cond3A_2 = arith.cmpi ne, %convert_element_type3A, %cond3A_1 : i32
    scf.if %cond3A_2 {
      %get3A = arith.constant 0 : index
      %get3A_13 = arith.constant 0 : index
      %get3A_14 = vector.load %arg3[%get3A, %get3A_13] : memref<2x10240xf32, #tpu.memory_space<vmem>>, vector<1x10000xf32>
      %get3A_15 = arith.constant 1 : index
      %get3A_16 = arith.constant 0 : index
      %get3A_17 = vector.load %arg3[%get3A_15, %get3A_16] : memref<2x10240xf32, #tpu.memory_space<vmem>>, vector<1x10000xf32>
      %add3A = arith.addf %get3A_14, %get3A_17 : vector<1x10000xf32>
      %get3A_18 = arith.constant 1 : index
      %get3A_19 = arith.constant 0 : index
      %get3A_20 = vector.load %arg2[%get3A_18, %get3A_19] : memref<2x10000xf32, #tpu.memory_space<vmem>>, vector<1x10000xf32>
      %add3A_21 = arith.addf %add3A, %get3A_20 : vector<1x10000xf32>
      %get3A_22 = arith.constant 0 : index
      %get3A_23 = arith.constant 0 : index
      %get3A_24 = vector.load %arg8[%get3A_22, %get3A_23] : memref<1x1xf32, #tpu.memory_space<vmem>>, vector<1x1xf32>
      %get3A_25 = vector.extract %get3A_24[0, 0] : f32 from vector<1x1xf32>
      %add3A_26 = vector.broadcast %get3A_25 : f32 to vector<1x10000xf32>
      %add3A_27 = arith.addf %add3A_21, %add3A_26 : vector<1x10000xf32>
      %iota3A = tpu.iota {dimensions = array<i32: 0>} : vector<64x10000xi32>
      %get3A_28 = arith.constant 0 : index
      %get3A_29 = arith.constant 0 : index
      %get3A_30 = vector.load %arg4[%get3A_28, %get3A_29] : memref<1x10000xi32, #tpu.memory_space<vmem>>, vector<1x10000xi32>
      %eq3A_31 = vector.broadcast %get3A_30 : vector<1x10000xi32> to vector<64x10000xi32>
      %eq3A_32 = arith.cmpi eq, %iota3A, %eq3A_31 : vector<64x10000xi32>
      %broadcast_in_dim3A = vector.shape_cast %add3A_27 : vector<1x10000xf32> to vector<1x10000xf32>
      %broadcast_in_dim3A_33 = vector.broadcast %broadcast_in_dim3A : vector<1x10000xf32> to vector<64x10000xf32>
      %broadcast_in_dim3A_34 = vector.broadcast %cond3A : f32 to vector<64x10000xf32>
      %select_n3A = arith.select %eq3A_32, %broadcast_in_dim3A_33, %broadcast_in_dim3A_34 : vector<64x10000xi1>, vector<64x10000xf32>
      %reduce_max3A = arith.constant dense<0xFF800000> : vector<64xf32>
      %reduce_max3A_35 = vector.multi_reduction <maximumf>, %select_n3A, %reduce_max3A [1] : vector<64x10000xf32> to vector<64xf32>
      %broadcast_in_dim3A_36 = vector.shape_cast %reduce_max3A_35 : vector<64xf32> to vector<64x1xf32>
      %sub3A = vector.broadcast %add3A_27 : vector<1x10000xf32> to vector<64x10000xf32>
      %sub3A_37 = vector.broadcast %broadcast_in_dim3A_36 : vector<64x1xf32> to vector<64x10000xf32>
      %sub3A_38 = arith.subf %sub3A, %sub3A_37 : vector<64x10000xf32>
      %broadcast_in_dim3A_39 = vector.broadcast %cond3A : f32 to vector<64x10000xf32>
      %select_n3A_40 = arith.select %eq3A_32, %sub3A_38, %broadcast_in_dim3A_39 : vector<64x10000xi1>, vector<64x10000xf32>
      %exp3A = math.exp %select_n3A_40 : vector<64x10000xf32>
      %swap3A = arith.constant 0 : index
      %swap3A_41 = arith.constant 0 : index
      %swap3A_42 = vector.load %arg10[%swap3A, %swap3A_41] : memref<64x1xf32, #tpu.memory_space<vmem>>, vector<64x1xf32>
      tpu.vector_store %arg10[%swap3A, %swap3A_41], %broadcast_in_dim3A_36 {strides = array<i32>} : memref<64x1xf32, #tpu.memory_space<vmem>>, vector<64x1xf32>,
      %reduce_sum3A = arith.constant dense<0.000000e+00> : vector<64xf32>
      %reduce_sum3A_43 = vector.multi_reduction <add>, %exp3A, %reduce_sum3A [1] : vector<64x10000xf32> to vector<64xf32>
      %broadcast_in_dim3A_44 = vector.shape_cast %reduce_sum3A_43 : vector<64xf32> to vector<64x1xf32>
      %swap3A_45 = arith.constant 0 : index
      %swap3A_46 = arith.constant 0 : index
      %swap3A_47 = vector.load %arg11[%swap3A_45, %swap3A_46] : memref<64x1xf32, #tpu.memory_space<vmem>>, vector<64x1xf32>
      tpu.vector_store %arg11[%swap3A_45, %swap3A_46], %broadcast_in_dim3A_44 {strides = array<i32>} : memref<64x1xf32, #tpu.memory_space<vmem>>, vector<64x1xf32>,
    } else {
    }
    %gt3A = arith.constant 0 : i32
    %gt3A_3 = arith.cmpi sgt, %arg0, %gt3A : i32
    %convert_element_type3A_4 = arith.extui %gt3A_3 : i1 to i32
    %cond3A_5 = arith.constant 0xFF800000 : f32
    %cond3A_6 = arith.constant 0 : i32
    %cond3A_7 = arith.cmpi ne, %convert_element_type3A_4, %cond3A_6 : i32
    scf.if %cond3A_7 {
      %sub3A = arith.constant 1 : i32
      %sub3A_13 = arith.subi %arg0, %sub3A : i32
      %get3A = arith.constant 0 : index
      %get3A_14 = arith.constant 0 : index
      %get3A_15 = vector.load %arg6[%get3A, %get3A_14] : memref<2x2560xf32, #tpu.memory_space<vmem>>, vector<1x2560xf32>
      %get3A_16 = arith.constant 1 : index
      %get3A_17 = arith.constant 0 : index
      %get3A_18 = vector.load %arg6[%get3A_16, %get3A_17] : memref<2x2560xf32, #tpu.memory_space<vmem>>, vector<1x2560xf32>
      %add3A = arith.addf %get3A_15, %get3A_18 : vector<1x2560xf32>
      %get3A_19 = arith.constant 1 : index
      %get3A_20 = arith.constant 0 : index
      %get3A_21 = vector.load %arg5[%get3A_19, %get3A_20] : memref<2x2560xf32, #tpu.memory_space<vmem>>, vector<1x2560xf32>
      %add3A_22 = arith.addf %add3A, %get3A_21 : vector<1x2560xf32>
      %get3A_23 = arith.constant 0 : index
      %get3A_24 = arith.constant 0 : index
      %get3A_25 = vector.load %arg8[%get3A_23, %get3A_24] : memref<1x1xf32, #tpu.memory_space<vmem>>, vector<1x1xf32>
      %get3A_26 = vector.extract %get3A_25[0, 0] : f32 from vector<1x1xf32>
      %add3A_27 = vector.broadcast %get3A_26 : f32 to vector<1x2560xf32>
      %add3A_28 = arith.addf %add3A_22, %add3A_27 : vector<1x2560xf32>
      %iota3A = tpu.iota {dimensions = array<i32: 0>} : vector<64x2560xi32>
      %mul3A = arith.constant 2560 : i32
      %mul3A_29 = arith.muli %sub3A_13, %mul3A : i32
      %iota3A_30 = tpu.iota {dimensions = array<i32: 1>} : vector<64x2560xi32>
      %add3A_31 = vector.broadcast %mul3A_29 : i32 to vector<64x2560xi32>
      %add3A_32 = arith.addi %add3A_31, %iota3A_30 : vector<64x2560xi32>
      %get3A_33 = arith.constant 0 : index
      %get3A_34 = arith.constant 0 : index
      %get3A_35 = vector.load %arg7[%get3A_33, %get3A_34] : memref<1x2560xi32, #tpu.memory_space<vmem>>, vector<1x2560xi32>
      %eq3A_36 = vector.broadcast %get3A_35 : vector<1x2560xi32> to vector<64x2560xi32>
      %eq3A_37 = arith.cmpi eq, %iota3A, %eq3A_36 : vector<64x2560xi32>
      %lt3A = arith.constant 10000 : i32
      %lt3A_38 = vector.broadcast %lt3A : i32 to vector<64x2560xi32>
      %lt3A_39 = arith.cmpi slt, %add3A_32, %lt3A_38 : vector<64x2560xi32>
      %and3A = arith.andi %eq3A_37, %lt3A_39 : vector<64x2560xi1>
      %get3A_40 = arith.constant 0 : index
      %get3A_41 = arith.constant 0 : index
      %get3A_42 = vector.load %arg10[%get3A_40, %get3A_41] : memref<64x1xf32, #tpu.memory_space<vmem>>, vector<64x1xf32>
      %sub3A_43 = vector.broadcast %add3A_28 : vector<1x2560xf32> to vector<64x2560xf32>
      %sub3A_44 = vector.broadcast %get3A_42 : vector<64x1xf32> to vector<64x2560xf32>
      %sub3A_45 = arith.subf %sub3A_43, %sub3A_44 : vector<64x2560xf32>
      %broadcast_in_dim3A = vector.broadcast %cond3A_5 : f32 to vector<64x2560xf32>
      %select_n3A = arith.select %and3A, %sub3A_45, %broadcast_in_dim3A : vector<64x2560xi1>, vector<64x2560xf32>
      %exp3A = math.exp %select_n3A : vector<64x2560xf32>
      %get3A_46 = arith.constant 0 : index
      %get3A_47 = arith.constant 0 : index
      %get3A_48 = vector.load %arg11[%get3A_46, %get3A_47] : memref<64x1xf32, #tpu.memory_space<vmem>>, vector<64x1xf32>
      %add3A_49 = arith.constant 1.000000e-16 : f32
      %add3A_50 = vector.broadcast %add3A_49 : f32 to vector<64x1xf32>
      %add3A_51 = arith.addf %get3A_48, %add3A_50 : vector<64x1xf32>
      %div3A = vector.broadcast %add3A_51 : vector<64x1xf32> to vector<64x2560xf32>
      %div3A_52 = arith.divf %exp3A, %div3A : vector<64x2560xf32>
      %mul3A_53 = arith.constant 2560 : i32
      %mul3A_54 = arith.muli %sub3A_13, %mul3A_53 : i32
      %iota3A_55 = tpu.iota {dimensions = array<i32: 0>} : vector<2560x1xi32>
      %add3A_56 = vector.broadcast %mul3A_54 : i32 to vector<2560x1xi32>
      %add3A_57 = arith.addi %add3A_56, %iota3A_55 : vector<2560x1xi32>
      %lt3A_58 = arith.constant 10000 : i32
      %lt3A_59 = vector.broadcast %lt3A_58 : i32 to vector<2560x1xi32>
      %lt3A_60 = arith.cmpi slt, %add3A_57, %lt3A_59 : vector<2560x1xi32>
      %get3A_61 = arith.constant 0 : index
      %get3A_62 = arith.constant 0 : index
      %get3A_63 = vector.load %arg1[%get3A_61, %get3A_62] : memref<2560x256xf32, #tpu.memory_space<vmem>>, vector<2560x256xf32>
      %jit3A = arith.constant 0.000000e+00 : f32
      %broadcast_in_dim3A_64 = vector.shape_cast %lt3A_60 : vector<2560x1xi1> to vector<2560x1xi1>
      %broadcast_in_dim3A_65 = vector.broadcast %broadcast_in_dim3A_64 : vector<2560x1xi1> to vector<2560x256xi1>
      %broadcast_in_dim3A_66 = vector.broadcast %jit3A : f32 to vector<2560x256xf32>
      %select_n3A_67 = arith.select %broadcast_in_dim3A_65, %get3A_63, %broadcast_in_dim3A_66 : vector<2560x256xi1>, vector<2560x256xf32>
      %dot_general3A = arith.constant dense<0.000000e+00> : vector<64x256xf32>
      %dot_general3A_68 = tpu.matmul %div3A_52, %select_n3A_67, %dot_general3A {dimension_numbers = #tpu.dot_dimension_numbers<[1], [0], [0], [1], [0, 0, 1, 1], [], []>, transpose_lhs_hint = false} : vector<64x2560xf32>, vector<2560x256xf32>, vector<64x256xf32> -> vector<64x256xf32>
      %eq3A_69 = arith.constant 0 : i32
      %eq3A_70 = arith.cmpi eq, %sub3A_13, %eq3A_69 : i32
      %get3A_71 = arith.constant 0 : index
      %get3A_72 = arith.constant 0 : index
      %get3A_73 = vector.load %arg12[%get3A_71, %get3A_72] : memref<64x256xf32, #tpu.memory_space<vmem>>, vector<64x256xf32>
      %add3A_74 = arith.addf %get3A_73, %dot_general3A_68 : vector<64x256xf32>
      %select_n3A_75 = arith.select %eq3A_70, %dot_general3A_68, %add3A_74 : vector<64x256xf32>
      %swap3A = arith.constant 0 : index
      %swap3A_76 = arith.constant 0 : index
      %swap3A_77 = vector.load %arg12[%swap3A, %swap3A_76] : memref<64x256xf32, #tpu.memory_space<vmem>>, vector<64x256xf32>
      tpu.vector_store %arg12[%swap3A, %swap3A_76], %select_n3A_75 {strides = array<i32>} : memref<64x256xf32, #tpu.memory_space<vmem>>, vector<64x256xf32>,
    } else {
    }
    %eq3A_8 = arith.constant 4 : i32
    %eq3A_9 = arith.cmpi eq, %arg0, %eq3A_8 : i32
    %convert_element_type3A_10 = arith.extui %eq3A_9 : i1 to i32
    %cond3A_11 = arith.constant 0 : i32
    %cond3A_12 = arith.cmpi ne, %convert_element_type3A_10, %cond3A_11 : i32
    scf.if %cond3A_12 {
      %get3A = arith.constant 0 : index
      %get3A_13 = arith.constant 0 : index
      %get3A_14 = vector.load %arg12[%get3A, %get3A_13] : memref<64x256xf32, #tpu.memory_space<vmem>>, vector<64x256xf32>
      %swap3A = arith.constant 0 : index
      %swap3A_15 = arith.constant 0 : index
      %swap3A_16 = vector.load %arg9[%swap3A, %swap3A_15] : memref<64x256xf32, #tpu.memory_space<vmem>>, vector<64x256xf32>
      tpu.vector_store %arg9[%swap3A, %swap3A_15], %get3A_14 {strides = array<i32>} : memref<64x256xf32, #tpu.memory_space<vmem>>, vector<64x256xf32>,
    } else {
    }
    return
  }
  func.func @transform_0(%arg0: i32) -> (i32, i32) {
    %sub3A = arith.constant 1 : i32
    %sub3A_0 = arith.subi %arg0, %sub3A : i32
    %max3A = arith.constant 0 : i32
    %max3A_1 = arith.maxsi %sub3A_0, %max3A : i32
    %c0_i32 = arith.constant 0 : i32
    %c0_i32_2 = arith.constant 0 : i32
    return %max3A_1, %c0_i32 : i32, i32
  }
  func.func @transform_1(%arg0: i32) -> (i32, i32) {
    %c0_i32 = arith.constant 0 : i32
    %c0_i32_0 = arith.constant 0 : i32
    %c0_i32_1 = arith.constant 0 : i32
    return %c0_i32, %c0_i32_0 : i32, i32
  }
  func.func @transform_2(%arg0: i32) -> (i32, i32) {
    %c0_i32 = arith.constant 0 : i32
    %c0_i32_0 = arith.constant 0 : i32
    %c0_i32_1 = arith.constant 0 : i32
    return %c0_i32, %c0_i32_0 : i32, i32
  }
  func.func @transform_3(%arg0: i32) -> (i32, i32) {
    %c0_i32 = arith.constant 0 : i32
    %c0_i32_0 = arith.constant 0 : i32
    %c0_i32_1 = arith.constant 0 : i32
    return %c0_i32, %c0_i32_0 : i32, i32
  }
  func.func @transform_4(%arg0: i32) -> (i32, i32) {
    %sub3A = arith.constant 1 : i32
    %sub3A_0 = arith.subi %arg0, %sub3A : i32
    %max3A = arith.constant 0 : i32
    %max3A_1 = arith.maxsi %sub3A_0, %max3A : i32
    %c0_i32 = arith.constant 0 : i32
    %c0_i32_2 = arith.constant 0 : i32
    return %c0_i32, %max3A_1 : i32, i32
  }
  func.func @transform_5(%arg0: i32) -> (i32, i32) {
    %sub3A = arith.constant 1 : i32
    %sub3A_0 = arith.subi %arg0, %sub3A : i32
    %max3A = arith.constant 0 : i32
    %max3A_1 = arith.maxsi %sub3A_0, %max3A : i32
    %c0_i32 = arith.constant 0 : i32
    %c0_i32_2 = arith.constant 0 : i32
    return %c0_i32, %max3A_1 : i32, i32
  }
  func.func @transform_6(%arg0: i32) -> (i32, i32) {
    %sub3A = arith.constant 1 : i32
    %sub3A_0 = arith.subi %arg0, %sub3A : i32
    %max3A = arith.constant 0 : i32
    %max3A_1 = arith.maxsi %sub3A_0, %max3A : i32
    %c0_i32 = arith.constant 0 : i32
    %c0_i32_2 = arith.constant 0 : i32
    return %c0_i32, %max3A_1 : i32, i32
  }
  func.func @transform_7(%arg0: i32) -> (i32, i32) {
    %c0_i32 = arith.constant 0 : i32
    %c0_i32_0 = arith.constant 0 : i32
    %c0_i32_1 = arith.constant 0 : i32
    return %c0_i32, %c0_i32_0 : i32, i32
  }
  func.func @transform_8(%arg0: i32) -> (i32, i32) {
    %c0_i32 = arith.constant 0 : i32
    %c0_i32_0 = arith.constant 0 : i32
    %c0_i32_1 = arith.constant 0 : i32
    return %c0_i32, %c0_i32_0 : i32, i32
  }
}

</mosaic_0001>

<sc_bundles>
// kernel: kernel.5.cloned.1.call-start
scs
__scs_entry_jumppad:
0x0: {  	(pc) =	sbr.rel $0x88, $3  }
0x1: {  	(tag) =	ssettag $0x0;
	lr =	simm.s32 $0x1  }
0x2: {  	[smem:$0x3F9B] =	sst lr;
	_ =	strace $0xD0000000  }
0x3: {  	_ = 	snop  }
0x4: {  	_ = 	snop  }
0x5: {  	_ = 	snop  }
0x6: {  	_ = 	snop  }
0x7: {  	_ = 	snop  }
__scs_overlays_trampoline_lowered:
0x8: {  	[smem:$0x3FAA] =	sst s0  }
0x9: {  	[smem:$0x3FAB] =	sst s1  }
0xa: {  	[smem:$0x3FAC] =	sst s2  }
0xb: {  	[smem:$0x3FAD] =	sst s3  }
0xc: {  	[smem:$0x3FAE] =	sst s4  }
0xd: {  	[smem:$0x3FAF] =	sst s5  }
0xe: {  	[smem:$0x3FB0] =	sst s6  }
0xf: {  	[smem:$0x3FB1] =	sst s7  }
0x10: {  	[smem:$0x3FB2] =	sst s8  }
0x11: {  	[smem:$0x3FB3] =	sst s9;
	s0 =	simm.s32 @!p0 $0x0  }
0x12: {  	s1 =	sld [smem:$0x3F99];
	s0 =	simm.s32 @p0 $0x1  }
0x13: {  	[smem:$0x3FB4] =	sst s0;
	s0 =	simm.s32 @!p1 $0x0  }
0x14: {  	s2 =	sld [smem:$0x3F98];
	s0 =	simm.s32 @p1 $0x1  }
0x15: {  	[smem:$0x3FB5] =	sst s0;
	s0 =	simm.s32 @!p2 $0x0  }
0x16: {  	s3 =	sld [smem:$0x3FDB];
	s0 =	simm.s32 @p2 $0x1  }
0x17: {  	s4 =	simm.s32 $0x1BF5;
	[smem:$0x3FB7] =	sst s0  }
0x18: {  	s0 =	sld [smem:$0x3F9A];
	_ =	swait.ge [sflag:s4], $0x0  }
0x19: {  	s7 =	sld [smem:$0x3F9B]  }
0x1a: {  	s8 =	sadd.s32 $0xFFFFE003, lr  }
0x1b: {  	s9 =	sadd.s32 $0xFFFFFEF7, lr;
	s5 =	simm.s32 $0xFFFFFFFF;
	p2 =	slt.u32 s8, $0xFFFFF086  }
0x1c: {  	p1 =	slt.u32 s9, $0xF7A;
	s5 =	simm.s32 @!p2 $0x0  }
0x1d: {  	s5 =	simm.s32 @p1 $0x1;
	p0 =	seq.s32 s7, s2  }
0x1e: {  	s7 =	smul.u32 @!p0 $0xF7A, s2;
	p2 =	seq.s32 @!p0 s5, $0x0  }
0x1f: {  	s9 =	smul.u32 $0xF7A, s1;
	s8 =	simm.s32 @!p0 $0x1BF5;
	p2 =	por !p2, p0  }
0x20: {  	[sflag:s8] =	ssyncset.s32 @!p0 $0xFFFFF086;
	s6 =	sadd.s32 @!p0 s3, s7;
	s7 =	simm.s32 @!p0 $0x108  }
0x21: {  	s3 =	sadd.s32 s3, s9;
	s6 =	sadd.s32 @!p0 $0x88, s6;
	s7 =	simm.s32 @p2 $0x1082  }
0x22: {  	[simem:s7], [sflag:s8] =	dma.local @!p0 [hbm:s6], $0xF7A  }
0x23: {  	s9 =	sor.u32 $0xD0000000, s2;
	s6 =	simm.s32 $0x108;
	_ =	swait.ge @!p0 [sflag:s8], $0x0  }
0x24: {  	s3 =	sadd.s32 $0x88, s3;
	s6 =	simm.s32 @!p1 $0x1082;
	[sflag:s4] =	ssyncset.s32 $0xFFFFF086  }
0x25: {  	[simem:s6], [sflag:s4] =	dma.local [hbm:s3], $0xF7A  }
0x26: {  	[smem:$0x3F9B] =	sst s1;
	(tag) =	ssettag s2;
	_ =	strace s9  }
0x27: {  	s1 =	sld [smem:$0x3FAB]  }
0x28: {  	s2 =	sld [smem:$0x3FAC]  }
0x29: {  	s4 =	sld [smem:$0x3FAE]  }
0x2a: {  	p0 =	seq.s32 s5, $0x0;
	s5 =	sld [smem:$0x3FAF]  }
0x2b: {  	s6 =	sld [smem:$0x3FB0]  }
0x2c: {  	s7 =	sld [smem:$0x3FB1]  }
0x2d: {  	s3 =	simm.s32 $0x108;
	s8 =	sld [smem:$0x3FB2]  }
0x2e: {  	s3 =	simm.s32 @!p0 $0x1082;
	s9 =	sld [smem:$0x3FB3]  }
0x2f: {  	lr =	sadd.s32 s0, s3;
	s0 =	sld [smem:$0x3FAA]  }
0x30: {  	s3 =	sld [smem:$0x3FAD]  }
0x31: {  	[smem:$0x3FB6] =	sst s10  }
0x32: {  	s10 =	sld [smem:$0x3FB4];
	_ =	sdelay $0x3  }
0x33: {  	p0 =	seq.s32 s10, $0x1;
	s10 =	sld [smem:$0x3FB6];
	_ =	sdelay $0x3  }
0x34: {  	[smem:$0x3FB6] =	sst s10  }
0x35: {  	s10 =	sld [smem:$0x3FB5];
	_ =	sdelay $0x3  }
0x36: {  	p1 =	seq.s32 s10, $0x1;
	s10 =	sld [smem:$0x3FB6];
	_ =	sdelay $0x3  }
0x37: {  	[smem:$0x3FB6] =	sst s10  }
0x38: {  	s10 =	sld [smem:$0x3FB7]  }
0x39: {  	_ = 	snop;
	(pc) =	sbr.ind lr, $3  }
0x3a: {  	_ = 	snop  }
0x3b: {  	_ = 	snop  }
0x3c: {  	p2 =	seq.s32 s10, $0x1;
	s10 =	sld [smem:$0x3FB6]  }
0x3d: {  	_ =	shalt  }
0x3e: {  	_ =	shalt  }
0x3f: {  	_ =	shalt  }
0x40: {  	_ =	shalt  }
0x41: {  	_ =	shalt  }
0x42: {  	_ =	shalt  }
0x43: {  	_ =	shalt  }
0x44: {  	_ =	shalt  }
0x45: {  	_ =	shalt  }
0x46: {  	_ =	shalt  }
0x47: {  	_ =	shalt  }
0x48: {  	_ =	shalt  }
0x49: {  	_ =	shalt  }
0x4a: {  	_ =	shalt  }
0x4b: {  	_ =	shalt  }
0x4c: {  	_ =	shalt  }
0x4d: {  	_ =	shalt  }
0x4e: {  	_ =	shalt  }
0x4f: {  	_ =	shalt  }
0x50: {  	_ =	shalt  }
0x51: {  	_ =	shalt  }
0x52: {  	_ =	shalt  }
0x53: {  	_ =	shalt  }
0x54: {  	_ =	shalt  }
0x55: {  	_ =	shalt  }
0x56: {  	_ =	shalt  }
0x57: {  	_ =	shalt  }
0x58: {  	_ =	shalt  }
0x59: {  	_ =	shalt  }
0x5a: {  	_ =	shalt  }
0x5b: {  	_ =	shalt  }
0x5c: {  	_ =	shalt  }
0x5d: {  	_ =	shalt  }
0x5e: {  	_ =	shalt  }
0x5f: {  	_ =	shalt  }
0x60: {  	_ =	shalt  }
0x61: {  	_ =	shalt  }
0x62: {  	_ =	shalt  }
0x63: {  	_ =	shalt  }
0x64: {  	_ =	shalt  }
0x65: {  	_ =	shalt  }
0x66: {  	_ =	shalt  }
0x67: {  	_ =	shalt  }
0x68: {  	_ =	shalt  }
0x69: {  	_ =	shalt  }
0x6a: {  	_ =	shalt  }
0x6b: {  	_ =	shalt  }
0x6c: {  	_ =	shalt  }
0x6d: {  	_ =	shalt  }
0x6e: {  	_ =	shalt  }
0x6f: {  	_ =	shalt  }
0x70: {  	_ =	shalt  }
0x71: {  	_ =	shalt  }
0x72: {  	_ =	shalt  }
0x73: {  	_ =	shalt  }
0x74: {  	_ =	shalt  }
0x75: {  	_ =	shalt  }
0x76: {  	_ =	shalt  }
0x77: {  	_ =	shalt  }
0x78: {  	_ =	shalt  }
0x79: {  	_ =	shalt  }
0x7a: {  	_ =	shalt  }
0x7b: {  	_ =	shalt  }
0x7c: {  	_ =	shalt  }
0x7d: {  	_ =	shalt  }
0x7e: {  	_ =	shalt  }
0x7f: {  	_ =	shalt  }
0x80: {  	_ =	shalt  }
0x81: {  	_ =	shalt  }
0x82: {  	_ =	shalt  }
0x83: {  	_ =	shalt  }
0x84: {  	_ =	shalt  }
0x85: {  	_ =	shalt  }
0x86: {  	_ =	shalt  }
0x87: {  	_ =	shalt  }
.Lfunc_end0:
.L_simem_size_0:
called_computation_lowered:
.L_overlay_start_0:
0x88: {  	s2 =	sld [smem:$0x3FD9]  }
0x89: {  	s3 =	sld [smem:$0x3FFE];
	_ =	sdelay $0x1  }
0x8a: {  	s1 =	srdreg.scid  }
0x8b: {  	s0 =	sand.u32 $0x1, s1  }
0x8c: {  	s16 =	sshll.u32 s0, $0xA;
	s2 =	sadd.s32 s3, s2  }
0x8d: {  	s2 =	sadd.s32 s2, s16  }
0x8e: {  	[smem:$0x3FC2] =	sst s2  }
0x8f: {  	_ = 	snop  }
0x90: {  	(tm) =	ssettm $0x1  }
0x91: {  	s17 =	sld [smem:$0x3FFB];
	_ =	sdelay $0x3  }
0x92: {  	_ =	strace s17  }
0x93: {  	s2 =	sld [smem:$0x3FFC];
	_ =	sdelay $0x3  }
0x94: {  	_ =	strace s2  }
0x95: {  	s2 =	sld [smem:$0x3FFD];
	_ =	sdelay $0x3  }
0x96: {  	_ =	strace s2  }
0x97: {  	_ =	strace $0x8FFFFFFF  }
0x98: {  	s18 =	sld [smem:$0x3FDB];
	_ =	sdelay $0x1  }
0x99: {  	s19 =	simm.s32 $_scs_section_size  }
0x9a: {  	s4 =	simm.s32 $_size__tile_overlayer_lowered;
	s5 =	simm.s32 $_tile_overlayer_lowered  }
0x9b: {  	s22 =	simm.s32 $0x1BFF;
	s21 =	sshll.u32 s5, $0x1;
	s2 =	sadd.s32 s19, s18  }
0x9c: {  	s6 =	simm.s32 $0x0;
	s20 =	sshll.u32 s4, $0x1;
	s4 =	sadd.s32 s21, s2  }
0x9d: {  	[timem:s6], [sflag:s22] =	dma.local [hbm:s4], s20  }
0x9e: {  	_ =	swait.ge [sflag:s22], s20  }
0x9f: {  	s3 =	ssub.s32 $0x0, s20;
	[sflag:s22] =	ssyncset.done $0x0  }
0xa0: {  	[sflag:s22] =	ssyncadd.s32 s3;
	_ =	sdelay $0x1  }
0xa1: {  	s23 =	simm.s32 $0x1B8B  }
0xa2: {  	_ =	swait.ge [sflag:s23], $0x1  }
0xa3: {  	[sflag:s23] =	ssyncset.done $0x0  }
0xa4: {  	s25 =	simm.s32 $0x1B8E;
	s24 =	sld [smem:$0x3FFE];
	[sflag:s23] =	ssyncadd.s32 $0xFFFFFFFF  }
0xa5: {  	s26 =	simm.s32 $execute0_lowered;
	[smem:$0x3FD2] =	sst s25  }
0xa6: {  	s4 =	sshll.u32 s26, $0x1;
	_ =	strace $0x80000046;
	[dreg:$0x1] =	wrdreg $0xFFFFFFFF  }
0xa7: {  	s28 =	simm.s32 $_size_execute0_lowered;
	s2 =	sadd.s32 s2, s4;
	[dreg:$0x0] =	wrdreg $0x0  }
0xa8: {  	s4 =	sshll.u32 s28, $0x1;
	[dreg:$0x2] =	wrdreg s2  }
0xa9: {  	[dreg:$0x3] =	wrdreg s4  }
0xaa: {  	[dreg:$0x4] =	wrdreg $0xC0  }
0xab: {  	_ =	task [dreg:s6], $0x5FFFF  }
0xac: {  	[dreg:$0x1] =	wrdreg $0xFFFFFFFF  }
0xad: {  	[dreg:$0x0] =	wrdreg $0x60  }
0xae: {  	[dreg:$0x2] =	wrdreg s24  }
0xaf: {  	[dreg:$0x3] =	wrdreg $0x66000  }
0xb0: {  	[dreg:$0x4] =	wrdreg $0x9  }
0xb1: {  	_ =	task.clear_ibuf [dreg:s6], $0x5FFFF;
	_ =	strace $0x90000046  }
0xb2: {  	s29 =	simm.s32 $0x9;
	_ =	strace $0x80000048  }
0xb3: {  	_ =	swait.ge [sflag:s29], $0x1  }
0xb4: {  	[sflag:s29] =	ssyncadd.s32 $0xFFFFFFFF  }
0xb5: {  	_ =	strace $0x90000048  }
0xb6: {  	_ =	sfence  }
0xb7: {  	s30 =	sld [smem:$0x0];
	_ =	sdelay $0x2  }
0xb8: {  	s31 =	sshll.u32 s1, $0xD;
	s1 =	sshrl.u32 s1, $0x2  }
0xb9: {  	s3 =	sand.u32 $0x4000, s31;
	s1 =	sadd.s32 s1, s30  }
0xba: {  	s0 =	sor.u32 s3, s0;
	s1 =	sshll.u32 s1, $0x11  }
0xbb: {  	s0 =	sor.u32 s1, s0  }
0xbc: {  	s0 =	sadd.s32 $0x8F2B, s0  }
0xbd: {  	[sflag:s0] =	ssyncadd.remote.s32 $0x1  }
0xbe: {  	_ =	sfence.sel $0xFFFF  }
0xbf: {  	[dreg:$0x0] =	wrdreg $0xFFFFFFFF;
	(pc) =	sbr.abs _section_cstart, $3  }
0xc0: {  	[dreg:$0x1] =	wrdreg $0xFFFFFFFF  }
0xc1: {  	_ =	task.clear_ibuf [dreg:s6], $0x2FFFF;
	_ =	strace $0x9FFFFFFF  }
0xc2: {  	(tm) =	ssettm $0x7FFFFFFF  }
0xc3: {  	_ =	shalt  }
tec
execute0_lowered:
.L_overlay_start_1:
0x0: {  	(tag) =	ssettag $0x1  }
0x1: {  	s5 =	rddreg [dreg:$0x0]  }
0x2: {  	s2 =	rddreg [dreg:$0x1]  }
0x3: {  	s0 =	rddreg [dreg:$0x2];
	s4 =	srdreg.scid  }
0x4: {  	s3 =	simm.s32 $0x0;
	s1 =	stileid.u32;
	s12 =	simm.s32 $0x2780  }
0x5: {  	s13 =	simm.s32 $0x3B80;
	s14 =	simm.s32 $0x6380;
	s15 =	simm.s32 $0x3  }
0x6: {  	s16 =	simm.s32 $0x1;
	s17 =	simm.s32 $0x2;
	s20 =	simm.s32 $0x20  }
0x7: {  	s21 =	simm.s32 $0x10;
	s22 =	simm.s32 $0x0;
	s7 =	smul.u32 $0x500, s1  }
0x8: {  	s6 =	sand.u32 $0x1, s4;
	[smem:$0x7FF] =	sst s3;
	s29 =	smul.u32 $0xA00, s1  }
0x9: {  	s18 =	sshll.u32 s1, $0x6;
	s4 =	sshll.u32 s6, $0x4;
	_ =	strace $0x80000047  }
0xa: {  	s9 =	sshll.u32 s6, $0x7;
	s6 =	ssub.s32 $0x2, s6;
	s18 =	sor.u32 $0x1C03, s18  }
0xb: {  	s8 =	sor.u32 s1, s4;
	s4 =	sadd.s32 $0xE00, s5;
	s7 =	sor.u32 s9, s7  }
0xc: {  	s30 =	sshrl.u32 s6, $0x1;
	s8 =	smul.u32 $0x280, s8;
	s7 =	sshrl.u32 s7, $0x3  }
0xd: {  	s31 =	sshrl.u32 s29, $0x2;
	s11 =	ssub.s32 s6, s30;
	s10 =	sadd.s32 s7, s5  }
0xe: {  	s7 =	sadd.s32 s31, s2;
	s9 =	smax.u32 s11, $0x1;
	s8 =	sadd.s32 s8, s5  }
0xf: {  	s11 =	simm.s32 $0x100;
	s19 =	sshrl.u32 s7, $0x3;
	s5 =	sadd.s32 $0x6800, s8  }
0x10: {  	v0 =	vimm.f32 $0.0e+00;
	s6 =	sadd.s32 $0x1800, s8;
	s8 =	sadd.s32 $0xB800, s10;
	s10 =	simm.s32 $0x80  }
.LBB2_1:
0x11: {  	[tilespmem:s3], [sflag:$0x1] =	stream.strided.gather [hbm4b:s4+s10], $0x2780, s11, s10, $0x38;
	[tilespmem:$0x6880] =	vst v63  }
0x12: {  	_ = 	snop  }
0x13: {  	[tilespmem:s12], [sflag:$0x1] =	stream.linear.gather [hbm4b:s5+s3], $0x1400, $0x38;
	[tilespmem:$0x6880] =	vst v63  }
0x14: {  	_ = 	snop  }
0x15: {  	[tilespmem:s13], [sflag:$0x1] =	stream.linear.gather [hbm4b:s6+s3], $0x1400, $0x38;
	[tilespmem:$0x6880] =	vst v63  }
0x16: {  	[tilespmem:$0x6380] =	vst v0  }
0x17: {  	[tilespmem:$0x6390] =	vst v0  }
0x18: {  	[tilespmem:$0x63A0] =	vst v0  }
0x19: {  	[tilespmem:$0x63B0] =	vst v0  }
0x1a: {  	[tilespmem:$0x63C0] =	vst v0  }
0x1b: {  	[tilespmem:$0x63D0] =	vst v0  }
0x1c: {  	[tilespmem:$0x63E0] =	vst v0  }
0x1d: {  	[tilespmem:$0x63F0] =	vst v0  }
0x1e: {  	[tilespmem:$0x6400] =	vst v0  }
0x1f: {  	[tilespmem:$0x6410] =	vst v0  }
0x20: {  	[tilespmem:$0x6420] =	vst v0  }
0x21: {  	[tilespmem:$0x6430] =	vst v0  }
0x22: {  	[tilespmem:$0x6440] =	vst v0  }
0x23: {  	[tilespmem:$0x6450] =	vst v0  }
0x24: {  	[tilespmem:$0x6460] =	vst v0  }
0x25: {  	[tilespmem:$0x6470] =	vst v0  }
0x26: {  	[tilespmem:$0x6480] =	vst v0  }
0x27: {  	[tilespmem:$0x6490] =	vst v0  }
0x28: {  	[tilespmem:$0x64A0] =	vst v0  }
0x29: {  	[tilespmem:$0x64B0] =	vst v0  }
0x2a: {  	[tilespmem:$0x64C0] =	vst v0  }
0x2b: {  	[tilespmem:$0x64D0] =	vst v0  }
0x2c: {  	[tilespmem:$0x64E0] =	vst v0  }
0x2d: {  	[tilespmem:$0x64F0] =	vst v0  }
0x2e: {  	[tilespmem:$0x6500] =	vst v0  }
0x2f: {  	[tilespmem:$0x6510] =	vst v0  }
0x30: {  	[tilespmem:$0x6520] =	vst v0  }
0x31: {  	[tilespmem:$0x6530] =	vst v0  }
0x32: {  	[tilespmem:$0x6540] =	vst v0  }
0x33: {  	[tilespmem:$0x6550] =	vst v0  }
0x34: {  	[tilespmem:$0x6560] =	vst v0  }
0x35: {  	[tilespmem:$0x6570] =	vst v0  }
0x36: {  	[tilespmem:$0x6580] =	vst v0  }
0x37: {  	[tilespmem:$0x6590] =	vst v0  }
0x38: {  	[tilespmem:$0x65A0] =	vst v0  }
0x39: {  	[tilespmem:$0x65B0] =	vst v0  }
0x3a: {  	[tilespmem:$0x65C0] =	vst v0  }
0x3b: {  	[tilespmem:$0x65D0] =	vst v0  }
0x3c: {  	[tilespmem:$0x65E0] =	vst v0  }
0x3d: {  	[tilespmem:$0x65F0] =	vst v0  }
0x3e: {  	[spmem:s7] =	stream.linear.scatter [tilespmem:s14], [sflag:$0x3], $0x280, $0x38;
	[tilespmem:$0x6880] =	vst v63  }
0x3f: {  	_ =	swait.ge [sflag:s15], $0x280  }
0x40: {  	[sflag:s15] =	ssyncset.done $0x0  }
0x41: {  	[sflag:s15] =	ssyncadd.s32 $0xFFFFFD80  }
0x42: {  	_ =	swait.ge [sflag:s16], $0x2780  }
0x43: {  	[sflag:s16] =	ssyncset.done $0x0  }
0x44: {  	[sflag:s16] =	ssyncadd.s32 $0xFFFFD880  }
0x45: {  	_ =	swait.ge [sflag:s16], $0x1400  }
0x46: {  	[sflag:s16] =	ssyncset.done $0x0  }
0x47: {  	[sflag:s16] =	ssyncadd.s32 $0xFFFFEC00  }
0x48: {  	_ =	swait.ge [sflag:s16], $0x1400  }
0x49: {  	[sflag:s16] =	ssyncset.done $0x0  }
0x4a: {  	[sflag:s16] =	ssyncadd.s32 $0xFFFFEC00  }
0x4b: {  	s23 =	simm.s32 $0x0;
	[bflag:$0x0] =	sbarrier.arrive $0xFFFF  }
0x4c: {  	s24 =	simm.s32 $0x200;
	v1 =	vld [tilespmem:s23+$0x2780]  }
.LBB2_2:
0x4d: {  	p0 =	sne.s32 s24, $0x4E00;
	_ =	sdelay $0x5  }
0x4e: {  	v2 =	vld [tilespmem:s23+$0x2790]  }
0x4f: {  	v1 =	vld.idx.msk [tilespmem:v1+s3+$0x0], $0xffff;
	_ =	sdelay $0x5  }
0x50: {  	[tilespmem:s23+$0x4F80] =	vst v1;
	v1 =	vld [tilespmem:s23+$0x27A0]  }
0x51: {  	v2 =	vld.idx.msk [tilespmem:v2+s3+$0x0], $0xffff;
	_ =	sdelay $0x5  }
0x52: {  	[tilespmem:s23+$0x4F90] =	vst v2;
	v2 =	vld [tilespmem:s23+$0x27B0]  }
0x53: {  	v1 =	vld.idx.msk [tilespmem:v1+s3+$0x0], $0xffff;
	_ =	sdelay $0x5  }
0x54: {  	[tilespmem:s23+$0x4FA0] =	vst v1;
	v1 =	vld [tilespmem:s23+$0x27C0]  }
0x55: {  	v2 =	vld.idx.msk [tilespmem:v2+s3+$0x0], $0xffff;
	_ =	sdelay $0x5  }
0x56: {  	[tilespmem:s23+$0x4FB0] =	vst v2;
	v2 =	vld [tilespmem:s23+$0x27D0]  }
0x57: {  	v1 =	vld.idx.msk [tilespmem:v1+s3+$0x0], $0xffff;
	_ =	sdelay $0x5  }
0x58: {  	[tilespmem:s23+$0x4FC0] =	vst v1;
	v1 =	vld [tilespmem:s23+$0x27E0]  }
0x59: {  	v2 =	vld.idx.msk [tilespmem:v2+s3+$0x0], $0xffff;
	_ =	sdelay $0x5  }
0x5a: {  	[tilespmem:s23+$0x4FD0] =	vst v2;
	v2 =	vld [tilespmem:s23+$0x27F0]  }
0x5b: {  	v1 =	vld.idx.msk [tilespmem:v1+s3+$0x0], $0xffff;
	_ =	sdelay $0x5  }
0x5c: {  	[tilespmem:s23+$0x4FE0] =	vst v1  }
0x5d: {  	v1 =	vld.idx.msk [tilespmem:v2+s3+$0x0], $0xffff;
	_ =	sdelay $0x2  }
.Ltmp0:
0x5e: {  	(pc) =	sbr.rel @p0 .LBB2_2-.Ltmp0, $4  }
0x5f: {  	_ = 	snop  }
0x60: {  	s25 =	sshra.s32 s24, $0x2;
	s26 =	sadd.s32 $0x4F80, s23;
	s28 =	sadd.s32 $0x3B80, s23  }
0x61: {  	[tilespmem:s23+$0x4FF0] =	vst v1;
	[spmem:s2] =	stream.indirect.scatter.add.f32 [tilespmem:s26], [sflag:$0x2], $0x1, s28, s10, $0xb8  }
0x62: {  	s24 =	sadd.s32 $0x200, s24;
	s23 =	smov.u32 s25;
	v1 =	vld [tilespmem:s25+$0x2780]  }
0x63: {  	_ =	sdelay $0x5  }
0x64: {  	v2 =	vld [tilespmem:s23+$0x2790];
	_ =	sdelay $0x1  }
0x65: {  	v1 =	vld.idx.msk [tilespmem:v1+s3+$0x0], $0xffff;
	_ =	sdelay $0x4  }
0x66: {  	[tilespmem:s23+$0x4F80] =	vst v1;
	v1 =	vld [tilespmem:s23+$0x27A0]  }
0x67: {  	v2 =	vld.idx.msk [tilespmem:v2+s3+$0x0], $0xffff;
	_ =	sdelay $0x4  }
0x68: {  	[tilespmem:s23+$0x4F90] =	vst v2;
	v2 =	vld [tilespmem:s23+$0x27B0];
	_ =	sdelay $0x1  }
0x69: {  	v1 =	vld.idx.msk [tilespmem:v1+s3+$0x0], $0xffff;
	_ =	sdelay $0x4  }
0x6a: {  	[tilespmem:s23+$0x4FA0] =	vst v1;
	v1 =	vld [tilespmem:s23+$0x27C0]  }
0x6b: {  	v2 =	vld.idx.msk [tilespmem:v2+s3+$0x0], $0xffff;
	_ =	sdelay $0x4  }
0x6c: {  	[tilespmem:s23+$0x4FB0] =	vst v2;
	v2 =	vld [tilespmem:s23+$0x27D0];
	_ =	sdelay $0x1  }
0x6d: {  	v1 =	vld.idx.msk [tilespmem:v1+s3+$0x0], $0xffff;
	_ =	sdelay $0x4  }
0x6e: {  	[tilespmem:s23+$0x4FC0] =	vst v1;
	v1 =	vld [tilespmem:s23+$0x27E0]  }
0x6f: {  	v2 =	vld.idx.msk [tilespmem:v2+s3+$0x0], $0xffff;
	_ =	sdelay $0x4  }
0x70: {  	[tilespmem:s23+$0x4FD0] =	vst v2;
	v2 =	vld [tilespmem:s23+$0x27F0];
	_ =	sdelay $0x1  }
0x71: {  	v1 =	vld.idx.msk [tilespmem:v1+s3+$0x0], $0xffff;
	_ =	sdelay $0x4  }
0x72: {  	[tilespmem:s23+$0x4FE0] =	vst v1  }
0x73: {  	v1 =	vld.idx.msk [tilespmem:v2+s3+$0x0], $0xffff;
	_ =	sdelay $0x4  }
0x74: {  	s24 =	sadd.s32 $0x4F80, s23;
	s25 =	sadd.s32 $0x3B80, s23;
	[tilespmem:s23+$0x4FF0] =	vst v1  }
0x75: {  	[spmem:s2] =	stream.indirect.scatter.add.f32 [tilespmem:s24], [sflag:$0x2], $0x1, s25, s10, $0xb8;
	[tilespmem:$0x6880] =	vst v63  }
0x76: {  	_ =	swait.ge [sflag:s17], $0x1400  }
0x77: {  	s22 =	sadd.s32 $0x1, s22;
	[sflag:s17] =	ssyncset.done $0x0  }
0x78: {  	p0 =	sne.s32 s22, s9;
	[sflag:s17] =	ssyncadd.s32 $0xFFFFEC00  }
.Ltmp1:
0x79: {  	[bflag:$0x0] =	sbarrier.arrive $0xFFFF;
	(pc) =	sbr.rel @p0 .LBB2_1-.Ltmp1, $4  }
0x7a: {  	[hbm:s8@s20], [sflag:s18] =	dma.strided [spmem:s19@s21], $0x50, s16, $0x10   }
0x7b: {  	_ =	swait.ge [sflag:s15], $0x50  }
0x7c: {  	[sflag:s15] =	ssyncset.done $0x0  }
0x7d: {  	[sflag:s15] =	ssyncadd.s32 $0xFFFFFFB0  }
0x7e: {  	_ =	sfence.sel $0x180000  }
0x7f: {  	[bflag:$0x0] =	sbarrier.arrive $0xFFFF  }
0x80: {  	p0 =	sne.s32 s1, $0x0;
	_ =	strace $0x90000047  }
0x81: {  	s0 =	sadd.s32 @!p0 $0x100000, s0;
	[bflag:$0x2] =	sbarrier.arrive $0xFFFF  }
0x82: {  	[sflag:s0] =	ssyncadd.tile.s32 @!p0 $0x1;
	_ =	shalt  }
.Lfunc_end2:
_tile_overlayer_lowered:
.L_overlay_start_2:
0x83: {  	(tag) =	ssettag $0x2  }
0x84: {  	s0 =	rddreg [dreg:$0x0];
	s2 =	stileid.u32  }
0x85: {  	s1 =	rddreg [dreg:$0x1];
	p0 =	sne.s32 s2, $0x0  }
0x86: {  	s3 =	rddreg [dreg:$0x2];
	[bflag:$0x3] =	sbarrier.arrive $0xFFFF;
	s2 =	simm.s32 @!p0 $0x1C03  }
0x87: {  	[timem:s3], [sflag:s2] =	dma.local @!p0 [hbm:s0], s1  }
0x88: {  	s0 =	simm.s32 @!p0 $0x3  }
0x89: {  	_ =	swait.ge @!p0 [sflag:s0], s1  }
0x8a: {  	s1 =	ssub.s32 @!p0 $0x0, s1;
	[sflag:s0] =	ssyncset.done @!p0 $0x0  }
0x8b: {  	[sflag:s0] =	ssyncadd.s32 @!p0 s1  }
0x8c: {  	[bflag:$0x3] =	sbarrier.arrive $0xFFFF  }
0x8d: {  	_ =	shalt  }

</sc_bundles>
